<compile_context>
chip_gen: v7x
topology: tpu7x:2x2x1
jax: 0.10.2.dev20260603
libtpu: 0.0.44.dev20260713+nightly
codegen_flags: <defaults>
</compile_context>

<pallas_src>
import functools

import jax
import jax.numpy as jnp
from jax import lax
from jax.experimental import pallas as pl
from jax.experimental.pallas import tpu as pltpu
from jax.experimental.pallas import tpu_sc as plsc

N_NODES = 10000
N_EDGES = 160000
D_IN = 256
D_OUT = 256

NC = 2
NS = 16
Q = 64
CW = 16

BLK = 128
EPT = 10240
NBLK = EPT // BLK
NPAIR = NBLK // 2
EDGES_PAD = EPT * NS
N_GARB = 240
NACC = N_NODES + N_GARB

ROWS_PER_TILE = NACC // NS
ZROWS = 160


def _sc_segment_sum(x4, srcs, dsts):
    mesh = plsc.VectorSubcoreMesh(core_axis_name="c", subcore_axis_name="s")

    @functools.partial(
        pl.kernel,
        out_type=(jax.ShapeDtypeStruct((NC, NACC, 2 * Q), jnp.float32),
                  jax.ShapeDtypeStruct((NACC, CW), jnp.float32)),
        mesh=mesh,
        scratch_types=[
            pltpu.VMEM((NBLK, BLK), jnp.int32),
            pltpu.VMEM((NBLK, BLK), jnp.int32),
            pltpu.VMEM((NBLK, BLK), jnp.int32),
            pltpu.VMEM((BLK, Q), jnp.float32),
            pltpu.VMEM((BLK, Q), jnp.float32),
            pltpu.VMEM((ZROWS, Q), jnp.float32),
            pltpu.VMEM((ZROWS, CW), jnp.float32),
            pltpu.VMEM((BLK, CW), jnp.float32),
            pltpu.VMEM_SHARED((NACC, Q), jnp.float32),
            pltpu.VMEM_SHARED((NACC, CW), jnp.float32),
            pltpu.SemaphoreType.DMA,
            pltpu.SemaphoreType.DMA,
            pltpu.SemaphoreType.DMA,
            pltpu.SemaphoreType.DMA,
            pltpu.SemaphoreType.DMA,
            pltpu.SemaphoreType.DMA,
        ],
        compiler_params=pltpu.CompilerParams(use_tc_tiling_on_sc=False,
                                             vmem_limit_bytes=2 * 1024 * 1024),
    )
    def seg_sum(x4_hbm, srcs_hbm, dsts_hbm, out_hbm, outc_hbm,
                sidx0, sidx1, didx, buf0, buf1, zbuf, zbufc, obuf,
                acc, cacc, g0, g1, s0, s1, sc, sz):
        cid = lax.axis_index("c")
        tid = lax.axis_index("s")

        pltpu.async_copy(srcs_hbm.at[cid, 0, tid], sidx0, sz)
        pltpu.async_copy(srcs_hbm.at[cid, 1, tid], sidx1, sz)
        pltpu.async_copy(dsts_hbm.at[tid], didx, sz)

        zero16 = jnp.zeros((16,), jnp.float32)
        one16 = jnp.ones((16,), jnp.float32)

        def fill_zeros(i, _):
            for j in range(Q // 16):
                zbuf[i, pl.ds(j * 16, 16)] = zero16
            zbufc[i, pl.ds(0, 16)] = zero16
            return 0
        lax.fori_loop(0, ZROWS, fill_zeros, 0)

        def fill_ones(i, _):
            obuf[i, pl.ds(0, 16)] = one16
            return 0
        lax.fori_loop(0, BLK, fill_ones, 0)

        pltpu.make_async_copy(srcs_hbm.at[cid, 0, tid], sidx0, sz).wait()
        pltpu.make_async_copy(srcs_hbm.at[cid, 1, tid], sidx1, sz).wait()
        pltpu.make_async_copy(dsts_hbm.at[tid], didx, sz).wait()

        def zero_acc():
            for i in range(ROWS_PER_TILE // ZROWS):
                pltpu.async_copy(
                    zbuf, acc.at[pl.ds(tid * ROWS_PER_TILE + i * ZROWS, ZROWS)],
                    sz)
            for i in range(ROWS_PER_TILE // ZROWS):
                pltpu.make_async_copy(
                    zbuf, acc.at[pl.ds(0, ZROWS)], sz).wait()

        def run_pass(sidx, lane_off, with_counts):
            def start_gather(j, buf, sem):
                pltpu.async_copy(x4_hbm.at[sidx.at[j]], buf, sem)

            def wait_gather(buf, sem):
                pltpu.make_async_copy(x4_hbm.at[pl.ds(0, BLK)], buf, sem).wait()

            def start_scatter(j, buf, sem):
                pltpu.async_copy(buf, acc.at[didx.at[j]], sem, add=True)

            def wait_scatter(buf, sem):
                pltpu.make_async_copy(buf, acc.at[pl.ds(0, BLK)], sem).wait()

            def count_block(j):
                if with_counts:
                    @pl.when(cid == 0)
                    def _():
                        pltpu.async_copy(obuf, cacc.at[didx.at[j]], sc,
                                         add=True)

            def count_drain():
                if with_counts:
                    @pl.when(cid == 0)
                    def _():
                        pltpu.make_async_copy(
                            obuf, cacc.at[pl.ds(0, BLK)], sc).wait()

            start_gather(0, buf0, g0)

            def pair(i, _):
                wait_gather(buf0, g0)

                @pl.when(i > 0)
                def _():
                    wait_scatter(buf1, s1)
                    count_drain()
                    count_drain()

                start_gather(2 * i + 1, buf1, g1)
                start_scatter(2 * i, buf0, s0)
                count_block(2 * i)
                wait_gather(buf1, g1)
                wait_scatter(buf0, s0)

                @pl.when(i < NPAIR - 1)
                def _():
                    start_gather(2 * i + 2, buf0, g0)

                start_scatter(2 * i + 1, buf1, s1)
                count_block(2 * i + 1)
                return 0

            lax.fori_loop(0, NPAIR, pair, 0)
            wait_scatter(buf1, s1)
            count_drain()
            count_drain()
            plsc.subcore_barrier()

            pltpu.sync_copy(
                acc.at[pl.ds(tid * ROWS_PER_TILE, ROWS_PER_TILE)],
                out_hbm.at[cid, pl.ds(tid * ROWS_PER_TILE, ROWS_PER_TILE),
                           pl.ds(lane_off, Q)])

        zero_acc()

        @pl.when(cid == 0)
        def _():
            for i in range(ROWS_PER_TILE // ZROWS):
                pltpu.async_copy(
                    zbufc,
                    cacc.at[pl.ds(tid * ROWS_PER_TILE + i * ZROWS, ZROWS)],
                    sz)
            for i in range(ROWS_PER_TILE // ZROWS):
                pltpu.make_async_copy(
                    zbufc, cacc.at[pl.ds(0, ZROWS)], sz).wait()

        plsc.subcore_barrier()
        run_pass(sidx0, 0, with_counts=True)

        @pl.when(cid == 0)
        def _():
            pltpu.sync_copy(
                cacc.at[pl.ds(tid * ROWS_PER_TILE, ROWS_PER_TILE)],
                outc_hbm.at[pl.ds(tid * ROWS_PER_TILE, ROWS_PER_TILE)])

        zero_acc()
        plsc.subcore_barrier()
        run_pass(sidx1, Q, with_counts=False)

    return seg_sum(x4, srcs, dsts)


def _tc_linear(x, sums, cnt, W, b2, block_m=2000):
    m_blocks = N_NODES // block_m

    def body(x_ref, s0_ref, s1_ref, c_ref, w_ref, b_ref, o_ref):
        cnt_col = jnp.maximum(c_ref[:, 0:1], 1.0)
        agg = jnp.concatenate([s0_ref[0], s1_ref[0]], axis=1) / cnt_col
        w = w_ref[...]
        dn = (((1,), (1,)), ((), ()))
        acc = lax.dot_general(x_ref[...], w[:, :D_IN], dn,
                              preferred_element_type=jnp.float32)
        acc += lax.dot_general(agg, w[:, D_IN:], dn,
                               preferred_element_type=jnp.float32)
        o_ref[...] = acc + b_ref[...]

    return pl.pallas_call(
        body,
        grid=(m_blocks,),
        in_specs=[
            pl.BlockSpec((block_m, D_IN), lambda m: (m, 0)),
            pl.BlockSpec((1, block_m, 2 * Q), lambda m: (0, m, 0)),
            pl.BlockSpec((1, block_m, 2 * Q), lambda m: (1, m, 0)),
            pl.BlockSpec((block_m, CW), lambda m: (m, 0)),
            pl.BlockSpec((D_OUT, 2 * D_IN), lambda m: (0, 0)),
            pl.BlockSpec((1, D_OUT), lambda m: (0, 0)),
        ],
        out_specs=pl.BlockSpec((block_m, D_OUT), lambda m: (m, 0)),
        out_shape=jax.ShapeDtypeStruct((N_NODES, D_OUT), jnp.float32),
        compiler_params=pltpu.CompilerParams(
            dimension_semantics=("arbitrary",)),
    )(x, sums, sums, cnt, W, b2)


def kernel(x, edge_index, W, b):
    src = edge_index[0].astype(jnp.int32)
    dst = edge_index[1].astype(jnp.int32)

    npad = EDGES_PAD - N_EDGES
    pad_ids = lax.iota(jnp.int32, npad)
    psrc = jnp.concatenate([src, pad_ids % N_NODES])
    pdst = jnp.concatenate([dst, N_NODES + pad_ids % N_GARB])
    psrc4 = psrc * 4
    srcs = jnp.stack([psrc4, psrc4 + 1, psrc4 + 2, psrc4 + 3])
    srcs = srcs.reshape(NC, 2, EDGES_PAD).reshape(NC, 2, NS, NBLK, BLK)
    dsts = pdst.reshape(NS, NBLK, BLK)

    x4 = x.reshape(4 * N_NODES, Q)

    sums, cnt = _sc_segment_sum(x4, srcs, dsts)
    return _tc_linear(x, sums, cnt, W, b.reshape(1, D_OUT))

# --- scband reference (transcript-rebuilt; emitter-appended) ---
"""Pipeline reference for scband-graph-sage-layer-v3-44702019617047 (READ-ONLY COPY).

The authoritative reference and input builder live on the scoring server;
editing this copy changes nothing except your own understanding.
"""

import jax, jax.numpy as jnp
import numpy as np

N_NODES = 10000
N_EDGES = 160000
D_IN = 256
D_OUT = 256

def setup_inputs(seed: int = 0) -> dict:
    key = jax.random.key(seed)
    k1, k2, k3, k4 = jax.random.split(key, 4)
    x = jax.random.normal(k1, (N_NODES, D_IN), dtype=jnp.float32)
    edge_index = jax.random.randint(k2, (2, N_EDGES), 0, N_NODES, dtype=jnp.int64)
    # nn.Linear(input_dim*2, output_dim): weight [out, in], bias [out]
    bound = 1.0 / np.sqrt(2 * D_IN)
    W = jax.random.uniform(k3, (D_OUT, 2 * D_IN), minval=-bound, maxval=bound, dtype=jnp.float32)
    b = jax.random.uniform(k4, (D_OUT,), minval=-bound, maxval=bound, dtype=jnp.float32)
    return {"x": x, "edge_index": edge_index, "W": W, "b": b}

def reference(x, edge_index, W, b):
    src = edge_index[0]
    dst = edge_index[1]
    neighbors_x = jnp.take(x, src, axis=0)
    # scatter mean: segment sum / clamped counts
    seg_sum = jax.ops.segment_sum(neighbors_x, dst, num_segments=x.shape[0])
    cnt = jax.ops.segment_sum(jnp.ones((dst.shape[0],), dtype=x.dtype), dst, num_segments=x.shape[0])
    agg = seg_sum / jnp.clip(cnt, 1.0, None)[:, None]
    y = jnp.concatenate([x, agg], axis=1)
    y = y @ W.T + b
    return y

if __name__ == "__main__":
    import jax
    _d = setup_inputs()
    print(jax.jit(kernel)(*tuple(_d.values())))

</pallas_src>

<mosaic_0001>
#map = affine_map<(d0, d1) -> (0, 0)>
#map1 = affine_map<(d0, d1) -> (0, 0, 0, 0, 0)>
#map2 = affine_map<(d0, d1) -> (0, 0, 0)>
module attributes {stable_mosaic.version = 14 : i64} {
  func.func @seg_sum(%arg0: i32, %arg1: i32, %arg2: memref<40000x64xf32, #tpu.memory_space<hbm>>, %arg3: memref<2x2x16x80x128xi32, #tpu.memory_space<hbm>>, %arg4: memref<16x80x128xi32, #tpu.memory_space<hbm>>, %arg5: memref<2x10240x128xf32, #tpu.memory_space<hbm>>, %arg6: memref<10240x16xf32, #tpu.memory_space<hbm>>, %arg7: memref<80x128xi32, #tpu.memory_space<vmem>>, %arg8: memref<80x128xi32, #tpu.memory_space<vmem>>, %arg9: memref<80x128xi32, #tpu.memory_space<vmem>>, %arg10: memref<128x64xf32, #tpu.memory_space<vmem>>, %arg11: memref<128x64xf32, #tpu.memory_space<vmem>>, %arg12: memref<160x64xf32, #tpu.memory_space<vmem>>, %arg13: memref<160x16xf32, #tpu.memory_space<vmem>>, %arg14: memref<128x16xf32, #tpu.memory_space<vmem>>, %arg15: memref<10240x64xf32, #tpu.memory_space<vmem_shared>>, %arg16: memref<10240x16xf32, #tpu.memory_space<vmem_shared>>, %arg17: memref<!tpu.dma_semaphore, #tpu.memory_space<semaphore_mem>>, %arg18: memref<!tpu.dma_semaphore, #tpu.memory_space<semaphore_mem>>, %arg19: memref<!tpu.dma_semaphore, #tpu.memory_space<semaphore_mem>>, %arg20: memref<!tpu.dma_semaphore, #tpu.memory_space<semaphore_mem>>, %arg21: memref<!tpu.dma_semaphore, #tpu.memory_space<semaphore_mem>>, %arg22: memref<!tpu.dma_semaphore, #tpu.memory_space<semaphore_mem>>) attributes {dimension_semantics = [#tpu.dimension_semantics<core_parallel>, #tpu.dimension_semantics<subcore_parallel>], iteration_bounds = array<i64: 2, 16>, scalar_prefetch = 0 : i64, scratch_operands = 16 : i64, tpu.core_type = #tpu.core_type<sc_vector_subcore>, window_params = [{transform_indices = #map}, {transform_indices = #map1}, {transform_indices = #map2}, {transform_indices = #map2}, {transform_indices = #map}]} {
    %dma_start3A = arith.constant 0 : i32
    %dma_start3A_0 = arith.constant 0 : i32
    %dma_start3A_1 = arith.constant 0 : i32
    %dma_start3A_2 = tpu.memref_slice %arg3[%arg0, %dma_start3A, %arg1, %dma_start3A_0, %dma_start3A_1] : memref<2x2x16x80x128xi32, #tpu.memory_space<hbm>> -> memref<1x1x1x80x128xi32, #tpu.memory_space<hbm>>
    %dma_start3A_3 = tpu.memref_squeeze %dma_start3A_2 : memref<1x1x1x80x128xi32, #tpu.memory_space<hbm>> -> memref<80x128xi32, #tpu.memory_space<hbm>>
    %dma_start3A_4 = arith.constant 0 : i32
    %dma_start3A_5 = arith.constant 0 : i32
    %dma_start3A_6 = tpu.memref_slice %arg3[%arg0, %dma_start3A, %arg1, %dma_start3A_4, %dma_start3A_5] : memref<2x2x16x80x128xi32, #tpu.memory_space<hbm>> -> memref<1x1x1x80x128xi32, #tpu.memory_space<hbm>>
    %dma_start3A_7 = tpu.memref_squeeze %dma_start3A_6 : memref<1x1x1x80x128xi32, #tpu.memory_space<hbm>> -> memref<80x128xi32, #tpu.memory_space<hbm>>
    tpu.enqueue_dma source(%dma_start3A_7 : memref<80x128xi32, #tpu.memory_space<hbm>>) target(%arg7 : memref<80x128xi32, #tpu.memory_space<vmem>>) target_semaphore(%arg22 : memref<!tpu.dma_semaphore, #tpu.memory_space<semaphore_mem>>)
    %dma_start3A_8 = arith.constant 1 : i32
    %dma_start3A_9 = arith.constant 0 : i32
    %dma_start3A_10 = arith.constant 0 : i32
    %dma_start3A_11 = tpu.memref_slice %arg3[%arg0, %dma_start3A_8, %arg1, %dma_start3A_9, %dma_start3A_10] : memref<2x2x16x80x128xi32, #tpu.memory_space<hbm>> -> memref<1x1x1x80x128xi32, #tpu.memory_space<hbm>>
    %dma_start3A_12 = tpu.memref_squeeze %dma_start3A_11 : memref<1x1x1x80x128xi32, #tpu.memory_space<hbm>> -> memref<80x128xi32, #tpu.memory_space<hbm>>
    %dma_start3A_13 = arith.constant 0 : i32
    %dma_start3A_14 = arith.constant 0 : i32
    %dma_start3A_15 = tpu.memref_slice %arg3[%arg0, %dma_start3A_8, %arg1, %dma_start3A_13, %dma_start3A_14] : memref<2x2x16x80x128xi32, #tpu.memory_space<hbm>> -> memref<1x1x1x80x128xi32, #tpu.memory_space<hbm>>
    %dma_start3A_16 = tpu.memref_squeeze %dma_start3A_15 : memref<1x1x1x80x128xi32, #tpu.memory_space<hbm>> -> memref<80x128xi32, #tpu.memory_space<hbm>>
    tpu.enqueue_dma source(%dma_start3A_16 : memref<80x128xi32, #tpu.memory_space<hbm>>) target(%arg8 : memref<80x128xi32, #tpu.memory_space<vmem>>) target_semaphore(%arg22 : memref<!tpu.dma_semaphore, #tpu.memory_space<semaphore_mem>>)
    %dma_start3A_17 = arith.constant 0 : i32
    %dma_start3A_18 = arith.constant 0 : i32
    %dma_start3A_19 = tpu.memref_slice %arg4[%arg1, %dma_start3A_17, %dma_start3A_18] : memref<16x80x128xi32, #tpu.memory_space<hbm>> -> memref<1x80x128xi32, #tpu.memory_space<hbm>>
    %dma_start3A_20 = tpu.memref_squeeze %dma_start3A_19 : memref<1x80x128xi32, #tpu.memory_space<hbm>> -> memref<80x128xi32, #tpu.memory_space<hbm>>
    %dma_start3A_21 = arith.constant 0 : i32
    %dma_start3A_22 = arith.constant 0 : i32
    %dma_start3A_23 = tpu.memref_slice %arg4[%arg1, %dma_start3A_21, %dma_start3A_22] : memref<16x80x128xi32, #tpu.memory_space<hbm>> -> memref<1x80x128xi32, #tpu.memory_space<hbm>>
    %dma_start3A_24 = tpu.memref_squeeze %dma_start3A_23 : memref<1x80x128xi32, #tpu.memory_space<hbm>> -> memref<80x128xi32, #tpu.memory_space<hbm>>
    tpu.enqueue_dma source(%dma_start3A_24 : memref<80x128xi32, #tpu.memory_space<hbm>>) target(%arg9 : memref<80x128xi32, #tpu.memory_space<vmem>>) target_semaphore(%arg22 : memref<!tpu.dma_semaphore, #tpu.memory_space<semaphore_mem>>)
    %broadcast_in_dim3A = arith.constant 0.000000e+00 : f32
    %broadcast_in_dim3A_25 = vector.broadcast %broadcast_in_dim3A : f32 to vector<16xf32>
    %broadcast_in_dim3A_26 = arith.constant 1.000000e+00 : f32
    %broadcast_in_dim3A_27 = vector.broadcast %broadcast_in_dim3A_26 : f32 to vector<16xf32>
    %scan3A = arith.constant 0 : i32
    %scan3A_28 = arith.constant 0 : i32
    %scan3A_29 = arith.constant 160 : i32
    %scan3A_30 = arith.addi %scan3A_28, %scan3A_29 : i32
    %scan3A_31 = arith.constant 1 : i32
    %scan3A_32 = scf.for %scan3A_244 = %scan3A_28 to %scan3A_30 step %scan3A_31 iter_args(%scan3A_245 = %scan3A) -> (i32)  : i32 {
      %swap3A = arith.index_cast %scan3A_244 : i32 to index
      %swap3A_246 = arith.constant 0 : index
      %swap3A_247 = tpu.vector_load %arg12[%swap3A, %swap3A_246] {strides = array<i32>} : memref<160x64xf32, #tpu.memory_space<vmem>>, vector<1x16xf32>,
      %swap3A_248 = vector.shape_cast %swap3A_247 : vector<1x16xf32> to vector<16xf32>
      %swap3A_249 = vector.shape_cast %broadcast_in_dim3A_25 : vector<16xf32> to vector<1x16xf32>
      tpu.vector_store %arg12[%swap3A, %swap3A_246], %swap3A_249 {strides = array<i32>} : memref<160x64xf32, #tpu.memory_space<vmem>>, vector<1x16xf32>,
      %swap3A_250 = arith.index_cast %scan3A_244 : i32 to index
      %swap3A_251 = arith.constant 16 : index
      %swap3A_252 = tpu.vector_load %arg12[%swap3A_250, %swap3A_251] {strides = array<i32>} : memref<160x64xf32, #tpu.memory_space<vmem>>, vector<1x16xf32>,
      %swap3A_253 = vector.shape_cast %swap3A_252 : vector<1x16xf32> to vector<16xf32>
      %swap3A_254 = vector.shape_cast %broadcast_in_dim3A_25 : vector<16xf32> to vector<1x16xf32>
      tpu.vector_store %arg12[%swap3A_250, %swap3A_251], %swap3A_254 {strides = array<i32>} : memref<160x64xf32, #tpu.memory_space<vmem>>, vector<1x16xf32>,
      %swap3A_255 = arith.index_cast %scan3A_244 : i32 to index
      %swap3A_256 = arith.constant 32 : index
      %swap3A_257 = tpu.vector_load %arg12[%swap3A_255, %swap3A_256] {strides = array<i32>} : memref<160x64xf32, #tpu.memory_space<vmem>>, vector<1x16xf32>,
      %swap3A_258 = vector.shape_cast %swap3A_257 : vector<1x16xf32> to vector<16xf32>
      %swap3A_259 = vector.shape_cast %broadcast_in_dim3A_25 : vector<16xf32> to vector<1x16xf32>
      tpu.vector_store %arg12[%swap3A_255, %swap3A_256], %swap3A_259 {strides = array<i32>} : memref<160x64xf32, #tpu.memory_space<vmem>>, vector<1x16xf32>,
      %swap3A_260 = arith.index_cast %scan3A_244 : i32 to index
      %swap3A_261 = arith.constant 48 : index
      %swap3A_262 = tpu.vector_load %arg12[%swap3A_260, %swap3A_261] {strides = array<i32>} : memref<160x64xf32, #tpu.memory_space<vmem>>, vector<1x16xf32>,
      %swap3A_263 = vector.shape_cast %swap3A_262 : vector<1x16xf32> to vector<16xf32>
      %swap3A_264 = vector.shape_cast %broadcast_in_dim3A_25 : vector<16xf32> to vector<1x16xf32>
      tpu.vector_store %arg12[%swap3A_260, %swap3A_261], %swap3A_264 {strides = array<i32>} : memref<160x64xf32, #tpu.memory_space<vmem>>, vector<1x16xf32>,
      %swap3A_265 = arith.index_cast %scan3A_244 : i32 to index
      %swap3A_266 = arith.constant 0 : index
      %swap3A_267 = tpu.vector_load %arg13[%swap3A_265, %swap3A_266] {strides = array<i32>} : memref<160x16xf32, #tpu.memory_space<vmem>>, vector<1x16xf32>,
      %swap3A_268 = vector.shape_cast %swap3A_267 : vector<1x16xf32> to vector<16xf32>
      %swap3A_269 = vector.shape_cast %broadcast_in_dim3A_25 : vector<16xf32> to vector<1x16xf32>
      tpu.vector_store %arg13[%swap3A_265, %swap3A_266], %swap3A_269 {strides = array<i32>} : memref<160x16xf32, #tpu.memory_space<vmem>>, vector<1x16xf32>,
      %scan3A_270 = arith.constant 0 : i32
      scf.yield %scan3A_270 : i32
    }
    %scan3A_33 = arith.constant 160 : i32
    %scan3A_34 = arith.constant 0 : i32
    %scan3A_35 = arith.constant 0 : i32
    %scan3A_36 = arith.constant 128 : i32
    %scan3A_37 = arith.addi %scan3A_35, %scan3A_36 : i32
    %scan3A_38 = arith.constant 1 : i32
    %scan3A_39 = scf.for %scan3A_244 = %scan3A_35 to %scan3A_37 step %scan3A_38 iter_args(%scan3A_245 = %scan3A_34) -> (i32)  : i32 {
      %swap3A = arith.index_cast %scan3A_244 : i32 to index
      %swap3A_246 = arith.constant 0 : index
      %swap3A_247 = tpu.vector_load %arg14[%swap3A, %swap3A_246] {strides = array<i32>} : memref<128x16xf32, #tpu.memory_space<vmem>>, vector<1x16xf32>,
      %swap3A_248 = vector.shape_cast %swap3A_247 : vector<1x16xf32> to vector<16xf32>
      %swap3A_249 = vector.shape_cast %broadcast_in_dim3A_27 : vector<16xf32> to vector<1x16xf32>
      tpu.vector_store %arg14[%swap3A, %swap3A_246], %swap3A_249 {strides = array<i32>} : memref<128x16xf32, #tpu.memory_space<vmem>>, vector<1x16xf32>,
      %scan3A_250 = arith.constant 0 : i32
      scf.yield %scan3A_250 : i32
    }
    %scan3A_40 = arith.constant 128 : i32
    %dma_wait3A = arith.constant 0 : i32
    %dma_wait3A_41 = arith.constant 0 : i32
    %dma_wait3A_42 = arith.constant 0 : i32
    %dma_wait3A_43 = tpu.memref_slice %arg3[%arg0, %dma_wait3A, %arg1, %dma_wait3A_41, %dma_wait3A_42] : memref<2x2x16x80x128xi32, #tpu.memory_space<hbm>> -> memref<1x1x1x80x128xi32, #tpu.memory_space<hbm>>
    %dma_wait3A_44 = tpu.memref_squeeze %dma_wait3A_43 : memref<1x1x1x80x128xi32, #tpu.memory_space<hbm>> -> memref<80x128xi32, #tpu.memory_space<hbm>>
    %dma_wait3A_45 = arith.constant 0 : i32
    %dma_wait3A_46 = arith.constant 0 : i32
    %dma_wait3A_47 = tpu.memref_slice %arg3[%arg0, %dma_wait3A, %arg1, %dma_wait3A_45, %dma_wait3A_46] : memref<2x2x16x80x128xi32, #tpu.memory_space<hbm>> -> memref<1x1x1x80x128xi32, #tpu.memory_space<hbm>>
    %dma_wait3A_48 = tpu.memref_squeeze %dma_wait3A_47 : memref<1x1x1x80x128xi32, #tpu.memory_space<hbm>> -> memref<80x128xi32, #tpu.memory_space<hbm>>
    tpu.wait_dma2 semaphore(%arg22 : memref<!tpu.dma_semaphore, #tpu.memory_space<semaphore_mem>>) src(%dma_wait3A_48 : memref<80x128xi32, #tpu.memory_space<hbm>>) dst(%arg7 : memref<80x128xi32, #tpu.memory_space<vmem>>)
    %dma_wait3A_49 = arith.constant 1 : i32
    %dma_wait3A_50 = arith.constant 0 : i32
    %dma_wait3A_51 = arith.constant 0 : i32
    %dma_wait3A_52 = tpu.memref_slice %arg3[%arg0, %dma_wait3A_49, %arg1, %dma_wait3A_50, %dma_wait3A_51] : memref<2x2x16x80x128xi32, #tpu.memory_space<hbm>> -> memref<1x1x1x80x128xi32, #tpu.memory_space<hbm>>
    %dma_wait3A_53 = tpu.memref_squeeze %dma_wait3A_52 : memref<1x1x1x80x128xi32, #tpu.memory_space<hbm>> -> memref<80x128xi32, #tpu.memory_space<hbm>>
    %dma_wait3A_54 = arith.constant 0 : i32
    %dma_wait3A_55 = arith.constant 0 : i32
    %dma_wait3A_56 = tpu.memref_slice %arg3[%arg0, %dma_wait3A_49, %arg1, %dma_wait3A_54, %dma_wait3A_55] : memref<2x2x16x80x128xi32, #tpu.memory_space<hbm>> -> memref<1x1x1x80x128xi32, #tpu.memory_space<hbm>>
    %dma_wait3A_57 = tpu.memref_squeeze %dma_wait3A_56 : memref<1x1x1x80x128xi32, #tpu.memory_space<hbm>> -> memref<80x128xi32, #tpu.memory_space<hbm>>
    tpu.wait_dma2 semaphore(%arg22 : memref<!tpu.dma_semaphore, #tpu.memory_space<semaphore_mem>>) src(%dma_wait3A_57 : memref<80x128xi32, #tpu.memory_space<hbm>>) dst(%arg8 : memref<80x128xi32, #tpu.memory_space<vmem>>)
    %dma_wait3A_58 = arith.constant 0 : i32
    %dma_wait3A_59 = arith.constant 0 : i32
    %dma_wait3A_60 = tpu.memref_slice %arg4[%arg1, %dma_wait3A_58, %dma_wait3A_59] : memref<16x80x128xi32, #tpu.memory_space<hbm>> -> memref<1x80x128xi32, #tpu.memory_space<hbm>>
    %dma_wait3A_61 = tpu.memref_squeeze %dma_wait3A_60 : memref<1x80x128xi32, #tpu.memory_space<hbm>> -> memref<80x128xi32, #tpu.memory_space<hbm>>
    %dma_wait3A_62 = arith.constant 0 : i32
    %dma_wait3A_63 = arith.constant 0 : i32
    %dma_wait3A_64 = tpu.memref_slice %arg4[%arg1, %dma_wait3A_62, %dma_wait3A_63] : memref<16x80x128xi32, #tpu.memory_space<hbm>> -> memref<1x80x128xi32, #tpu.memory_space<hbm>>
    %dma_wait3A_65 = tpu.memref_squeeze %dma_wait3A_64 : memref<1x80x128xi32, #tpu.memory_space<hbm>> -> memref<80x128xi32, #tpu.memory_space<hbm>>
    tpu.wait_dma2 semaphore(%arg22 : memref<!tpu.dma_semaphore, #tpu.memory_space<semaphore_mem>>) src(%dma_wait3A_65 : memref<80x128xi32, #tpu.memory_space<hbm>>) dst(%arg9 : memref<80x128xi32, #tpu.memory_space<vmem>>)
    %mul3A = arith.constant 640 : i32
    %mul3A_66 = arith.muli %arg1, %mul3A : i32
    %add3A = arith.constant 0 : i32
    %add3A_67 = arith.addi %mul3A_66, %add3A : i32
    %dma_start3A_68 = arith.constant 0 : i32
    %dma_start3A_69 = tpu.memref_slice %arg15[%add3A_67, %dma_start3A_68] : memref<10240x64xf32, #tpu.memory_space<vmem_shared>> -> memref<160x64xf32, #tpu.memory_space<vmem_shared>>
    %dma_start3A_70 = arith.constant 0 : i32
    %dma_start3A_71 = tpu.memref_slice %arg15[%add3A_67, %dma_start3A_70] : memref<10240x64xf32, #tpu.memory_space<vmem_shared>> -> memref<160x64xf32, #tpu.memory_space<vmem_shared>>
    tpu.enqueue_dma source(%arg12 : memref<160x64xf32, #tpu.memory_space<vmem>>) target(%dma_start3A_71 : memref<160x64xf32, #tpu.memory_space<vmem_shared>>) target_semaphore(%arg22 : memref<!tpu.dma_semaphore, #tpu.memory_space<semaphore_mem>>)
    %mul3A_72 = arith.constant 640 : i32
    %mul3A_73 = arith.muli %arg1, %mul3A_72 : i32
    %add3A_74 = arith.constant 160 : i32
    %add3A_75 = arith.addi %mul3A_73, %add3A_74 : i32
    %dma_start3A_76 = arith.constant 0 : i32
    %dma_start3A_77 = tpu.memref_slice %arg15[%add3A_75, %dma_start3A_76] : memref<10240x64xf32, #tpu.memory_space<vmem_shared>> -> memref<160x64xf32, #tpu.memory_space<vmem_shared>>
    %dma_start3A_78 = arith.constant 0 : i32
    %dma_start3A_79 = tpu.memref_slice %arg15[%add3A_75, %dma_start3A_78] : memref<10240x64xf32, #tpu.memory_space<vmem_shared>> -> memref<160x64xf32, #tpu.memory_space<vmem_shared>>
    tpu.enqueue_dma source(%arg12 : memref<160x64xf32, #tpu.memory_space<vmem>>) target(%dma_start3A_79 : memref<160x64xf32, #tpu.memory_space<vmem_shared>>) target_semaphore(%arg22 : memref<!tpu.dma_semaphore, #tpu.memory_space<semaphore_mem>>)
    %mul3A_80 = arith.constant 640 : i32
    %mul3A_81 = arith.muli %arg1, %mul3A_80 : i32
    %add3A_82 = arith.constant 320 : i32
    %add3A_83 = arith.addi %mul3A_81, %add3A_82 : i32
    %dma_start3A_84 = arith.constant 0 : i32
    %dma_start3A_85 = tpu.memref_slice %arg15[%add3A_83, %dma_start3A_84] : memref<10240x64xf32, #tpu.memory_space<vmem_shared>> -> memref<160x64xf32, #tpu.memory_space<vmem_shared>>
    %dma_start3A_86 = arith.constant 0 : i32
    %dma_start3A_87 = tpu.memref_slice %arg15[%add3A_83, %dma_start3A_86] : memref<10240x64xf32, #tpu.memory_space<vmem_shared>> -> memref<160x64xf32, #tpu.memory_space<vmem_shared>>
    tpu.enqueue_dma source(%arg12 : memref<160x64xf32, #tpu.memory_space<vmem>>) target(%dma_start3A_87 : memref<160x64xf32, #tpu.memory_space<vmem_shared>>) target_semaphore(%arg22 : memref<!tpu.dma_semaphore, #tpu.memory_space<semaphore_mem>>)
    %mul3A_88 = arith.constant 640 : i32
    %mul3A_89 = arith.muli %arg1, %mul3A_88 : i32
    %add3A_90 = arith.constant 480 : i32
    %add3A_91 = arith.addi %mul3A_89, %add3A_90 : i32
    %dma_start3A_92 = arith.constant 0 : i32
    %dma_start3A_93 = tpu.memref_slice %arg15[%add3A_91, %dma_start3A_92] : memref<10240x64xf32, #tpu.memory_space<vmem_shared>> -> memref<160x64xf32, #tpu.memory_space<vmem_shared>>
    %dma_start3A_94 = arith.constant 0 : i32
    %dma_start3A_95 = tpu.memref_slice %arg15[%add3A_91, %dma_start3A_94] : memref<10240x64xf32, #tpu.memory_space<vmem_shared>> -> memref<160x64xf32, #tpu.memory_space<vmem_shared>>
    tpu.enqueue_dma source(%arg12 : memref<160x64xf32, #tpu.memory_space<vmem>>) target(%dma_start3A_95 : memref<160x64xf32, #tpu.memory_space<vmem_shared>>) target_semaphore(%arg22 : memref<!tpu.dma_semaphore, #tpu.memory_space<semaphore_mem>>)
    %dma_wait3A_96 = arith.constant 0 : i32
    %dma_wait3A_97 = arith.constant 0 : i32
    %dma_wait3A_98 = tpu.memref_slice %arg15[%dma_wait3A_96, %dma_wait3A_97] : memref<10240x64xf32, #tpu.memory_space<vmem_shared>> -> memref<160x64xf32, #tpu.memory_space<vmem_shared>>
    %dma_wait3A_99 = arith.constant 0 : i32
    %dma_wait3A_100 = arith.constant 0 : i32
    %dma_wait3A_101 = tpu.memref_slice %arg15[%dma_wait3A_99, %dma_wait3A_100] : memref<10240x64xf32, #tpu.memory_space<vmem_shared>> -> memref<160x64xf32, #tpu.memory_space<vmem_shared>>
    tpu.wait_dma2 semaphore(%arg22 : memref<!tpu.dma_semaphore, #tpu.memory_space<semaphore_mem>>) src(%arg12 : memref<160x64xf32, #tpu.memory_space<vmem>>) dst(%dma_wait3A_101 : memref<160x64xf32, #tpu.memory_space<vmem_shared>>)
    %dma_wait3A_102 = arith.constant 0 : i32
    %dma_wait3A_103 = arith.constant 0 : i32
    %dma_wait3A_104 = tpu.memref_slice %arg15[%dma_wait3A_102, %dma_wait3A_103] : memref<10240x64xf32, #tpu.memory_space<vmem_shared>> -> memref<160x64xf32, #tpu.memory_space<vmem_shared>>
    %dma_wait3A_105 = arith.constant 0 : i32
    %dma_wait3A_106 = arith.constant 0 : i32
    %dma_wait3A_107 = tpu.memref_slice %arg15[%dma_wait3A_105, %dma_wait3A_106] : memref<10240x64xf32, #tpu.memory_space<vmem_shared>> -> memref<160x64xf32, #tpu.memory_space<vmem_shared>>
    tpu.wait_dma2 semaphore(%arg22 : memref<!tpu.dma_semaphore, #tpu.memory_space<semaphore_mem>>) src(%arg12 : memref<160x64xf32, #tpu.memory_space<vmem>>) dst(%dma_wait3A_107 : memref<160x64xf32, #tpu.memory_space<vmem_shared>>)
    %dma_wait3A_108 = arith.constant 0 : i32
    %dma_wait3A_109 = arith.constant 0 : i32
    %dma_wait3A_110 = tpu.memref_slice %arg15[%dma_wait3A_108, %dma_wait3A_109] : memref<10240x64xf32, #tpu.memory_space<vmem_shared>> -> memref<160x64xf32, #tpu.memory_space<vmem_shared>>
    %dma_wait3A_111 = arith.constant 0 : i32
    %dma_wait3A_112 = arith.constant 0 : i32
    %dma_wait3A_113 = tpu.memref_slice %arg15[%dma_wait3A_111, %dma_wait3A_112] : memref<10240x64xf32, #tpu.memory_space<vmem_shared>> -> memref<160x64xf32, #tpu.memory_space<vmem_shared>>
    tpu.wait_dma2 semaphore(%arg22 : memref<!tpu.dma_semaphore, #tpu.memory_space<semaphore_mem>>) src(%arg12 : memref<160x64xf32, #tpu.memory_space<vmem>>) dst(%dma_wait3A_113 : memref<160x64xf32, #tpu.memory_space<vmem_shared>>)
    %dma_wait3A_114 = arith.constant 0 : i32
    %dma_wait3A_115 = arith.constant 0 : i32
    %dma_wait3A_116 = tpu.memref_slice %arg15[%dma_wait3A_114, %dma_wait3A_115] : memref<10240x64xf32, #tpu.memory_space<vmem_shared>> -> memref<160x64xf32, #tpu.memory_space<vmem_shared>>
    %dma_wait3A_117 = arith.constant 0 : i32
    %dma_wait3A_118 = arith.constant 0 : i32
    %dma_wait3A_119 = tpu.memref_slice %arg15[%dma_wait3A_117, %dma_wait3A_118] : memref<10240x64xf32, #tpu.memory_space<vmem_shared>> -> memref<160x64xf32, #tpu.memory_space<vmem_shared>>
    tpu.wait_dma2 semaphore(%arg22 : memref<!tpu.dma_semaphore, #tpu.memory_space<semaphore_mem>>) src(%arg12 : memref<160x64xf32, #tpu.memory_space<vmem>>) dst(%dma_wait3A_119 : memref<160x64xf32, #tpu.memory_space<vmem_shared>>)
    %eq3A = arith.constant 0 : i32
    %eq3A_120 = arith.cmpi eq, %arg0, %eq3A : i32
    %convert_element_type3A = arith.extui %eq3A_120 : i1 to i32
    %cond3A = arith.constant 0 : i32
    %cond3A_121 = arith.cmpi ne, %convert_element_type3A, %cond3A : i32
    scf.if %cond3A_121 {
      %mul3A_244 = arith.constant 640 : i32
      %mul3A_245 = arith.muli %arg1, %mul3A_244 : i32
      %add3A_246 = arith.constant 0 : i32
      %add3A_247 = arith.addi %mul3A_245, %add3A_246 : i32
      %dma_start3A_248 = arith.constant 0 : i32
      %dma_start3A_249 = tpu.memref_slice %arg16[%add3A_247, %dma_start3A_248] : memref<10240x16xf32, #tpu.memory_space<vmem_shared>> -> memref<160x16xf32, #tpu.memory_space<vmem_shared>>
      %dma_start3A_250 = arith.constant 0 : i32
      %dma_start3A_251 = tpu.memref_slice %arg16[%add3A_247, %dma_start3A_250] : memref<10240x16xf32, #tpu.memory_space<vmem_shared>> -> memref<160x16xf32, #tpu.memory_space<vmem_shared>>
      tpu.enqueue_dma source(%arg13 : memref<160x16xf32, #tpu.memory_space<vmem>>) target(%dma_start3A_251 : memref<160x16xf32, #tpu.memory_space<vmem_shared>>) target_semaphore(%arg22 : memref<!tpu.dma_semaphore, #tpu.memory_space<semaphore_mem>>)
      %mul3A_252 = arith.constant 640 : i32
      %mul3A_253 = arith.muli %arg1, %mul3A_252 : i32
      %add3A_254 = arith.constant 160 : i32
      %add3A_255 = arith.addi %mul3A_253, %add3A_254 : i32
      %dma_start3A_256 = arith.constant 0 : i32
      %dma_start3A_257 = tpu.memref_slice %arg16[%add3A_255, %dma_start3A_256] : memref<10240x16xf32, #tpu.memory_space<vmem_shared>> -> memref<160x16xf32, #tpu.memory_space<vmem_shared>>
      %dma_start3A_258 = arith.constant 0 : i32
      %dma_start3A_259 = tpu.memref_slice %arg16[%add3A_255, %dma_start3A_258] : memref<10240x16xf32, #tpu.memory_space<vmem_shared>> -> memref<160x16xf32, #tpu.memory_space<vmem_shared>>
      tpu.enqueue_dma source(%arg13 : memref<160x16xf32, #tpu.memory_space<vmem>>) target(%dma_start3A_259 : memref<160x16xf32, #tpu.memory_space<vmem_shared>>) target_semaphore(%arg22 : memref<!tpu.dma_semaphore, #tpu.memory_space<semaphore_mem>>)
      %mul3A_260 = arith.constant 640 : i32
      %mul3A_261 = arith.muli %arg1, %mul3A_260 : i32
      %add3A_262 = arith.constant 320 : i32
      %add3A_263 = arith.addi %mul3A_261, %add3A_262 : i32
      %dma_start3A_264 = arith.constant 0 : i32
      %dma_start3A_265 = tpu.memref_slice %arg16[%add3A_263, %dma_start3A_264] : memref<10240x16xf32, #tpu.memory_space<vmem_shared>> -> memref<160x16xf32, #tpu.memory_space<vmem_shared>>
      %dma_start3A_266 = arith.constant 0 : i32
      %dma_start3A_267 = tpu.memref_slice %arg16[%add3A_263, %dma_start3A_266] : memref<10240x16xf32, #tpu.memory_space<vmem_shared>> -> memref<160x16xf32, #tpu.memory_space<vmem_shared>>
      tpu.enqueue_dma source(%arg13 : memref<160x16xf32, #tpu.memory_space<vmem>>) target(%dma_start3A_267 : memref<160x16xf32, #tpu.memory_space<vmem_shared>>) target_semaphore(%arg22 : memref<!tpu.dma_semaphore, #tpu.memory_space<semaphore_mem>>)
      %mul3A_268 = arith.constant 640 : i32
      %mul3A_269 = arith.muli %arg1, %mul3A_268 : i32
      %add3A_270 = arith.constant 480 : i32
      %add3A_271 = arith.addi %mul3A_269, %add3A_270 : i32
      %dma_start3A_272 = arith.constant 0 : i32
      %dma_start3A_273 = tpu.memref_slice %arg16[%add3A_271, %dma_start3A_272] : memref<10240x16xf32, #tpu.memory_space<vmem_shared>> -> memref<160x16xf32, #tpu.memory_space<vmem_shared>>
      %dma_start3A_274 = arith.constant 0 : i32
      %dma_start3A_275 = tpu.memref_slice %arg16[%add3A_271, %dma_start3A_274] : memref<10240x16xf32, #tpu.memory_space<vmem_shared>> -> memref<160x16xf32, #tpu.memory_space<vmem_shared>>
      tpu.enqueue_dma source(%arg13 : memref<160x16xf32, #tpu.memory_space<vmem>>) target(%dma_start3A_275 : memref<160x16xf32, #tpu.memory_space<vmem_shared>>) target_semaphore(%arg22 : memref<!tpu.dma_semaphore, #tpu.memory_space<semaphore_mem>>)
      %dma_wait3A_276 = arith.constant 0 : i32
      %dma_wait3A_277 = arith.constant 0 : i32
      %dma_wait3A_278 = tpu.memref_slice %arg16[%dma_wait3A_276, %dma_wait3A_277] : memref<10240x16xf32, #tpu.memory_space<vmem_shared>> -> memref<160x16xf32, #tpu.memory_space<vmem_shared>>
      %dma_wait3A_279 = arith.constant 0 : i32
      %dma_wait3A_280 = arith.constant 0 : i32
      %dma_wait3A_281 = tpu.memref_slice %arg16[%dma_wait3A_279, %dma_wait3A_280] : memref<10240x16xf32, #tpu.memory_space<vmem_shared>> -> memref<160x16xf32, #tpu.memory_space<vmem_shared>>
      tpu.wait_dma2 semaphore(%arg22 : memref<!tpu.dma_semaphore, #tpu.memory_space<semaphore_mem>>) src(%arg13 : memref<160x16xf32, #tpu.memory_space<vmem>>) dst(%dma_wait3A_281 : memref<160x16xf32, #tpu.memory_space<vmem_shared>>)
      %dma_wait3A_282 = arith.constant 0 : i32
      %dma_wait3A_283 = arith.constant 0 : i32
      %dma_wait3A_284 = tpu.memref_slice %arg16[%dma_wait3A_282, %dma_wait3A_283] : memref<10240x16xf32, #tpu.memory_space<vmem_shared>> -> memref<160x16xf32, #tpu.memory_space<vmem_shared>>
      %dma_wait3A_285 = arith.constant 0 : i32
      %dma_wait3A_286 = arith.constant 0 : i32
      %dma_wait3A_287 = tpu.memref_slice %arg16[%dma_wait3A_285, %dma_wait3A_286] : memref<10240x16xf32, #tpu.memory_space<vmem_shared>> -> memref<160x16xf32, #tpu.memory_space<vmem_shared>>
      tpu.wait_dma2 semaphore(%arg22 : memref<!tpu.dma_semaphore, #tpu.memory_space<semaphore_mem>>) src(%arg13 : memref<160x16xf32, #tpu.memory_space<vmem>>) dst(%dma_wait3A_287 : memref<160x16xf32, #tpu.memory_space<vmem_shared>>)
      %dma_wait3A_288 = arith.constant 0 : i32
      %dma_wait3A_289 = arith.constant 0 : i32
      %dma_wait3A_290 = tpu.memref_slice %arg16[%dma_wait3A_288, %dma_wait3A_289] : memref<10240x16xf32, #tpu.memory_space<vmem_shared>> -> memref<160x16xf32, #tpu.memory_space<vmem_shared>>
      %dma_wait3A_291 = arith.constant 0 : i32
      %dma_wait3A_292 = arith.constant 0 : i32
      %dma_wait3A_293 = tpu.memref_slice %arg16[%dma_wait3A_291, %dma_wait3A_292] : memref<10240x16xf32, #tpu.memory_space<vmem_shared>> -> memref<160x16xf32, #tpu.memory_space<vmem_shared>>
      tpu.wait_dma2 semaphore(%arg22 : memref<!tpu.dma_semaphore, #tpu.memory_space<semaphore_mem>>) src(%arg13 : memref<160x16xf32, #tpu.memory_space<vmem>>) dst(%dma_wait3A_293 : memref<160x16xf32, #tpu.memory_space<vmem_shared>>)
      %dma_wait3A_294 = arith.constant 0 : i32
      %dma_wait3A_295 = arith.constant 0 : i32
      %dma_wait3A_296 = tpu.memref_slice %arg16[%dma_wait3A_294, %dma_wait3A_295] : memref<10240x16xf32, #tpu.memory_space<vmem_shared>> -> memref<160x16xf32, #tpu.memory_space<vmem_shared>>
      %dma_wait3A_297 = arith.constant 0 : i32
      %dma_wait3A_298 = arith.constant 0 : i32
      %dma_wait3A_299 = tpu.memref_slice %arg16[%dma_wait3A_297, %dma_wait3A_298] : memref<10240x16xf32, #tpu.memory_space<vmem_shared>> -> memref<160x16xf32, #tpu.memory_space<vmem_shared>>
      tpu.wait_dma2 semaphore(%arg22 : memref<!tpu.dma_semaphore, #tpu.memory_space<semaphore_mem>>) src(%arg13 : memref<160x16xf32, #tpu.memory_space<vmem>>) dst(%dma_wait3A_299 : memref<160x16xf32, #tpu.memory_space<vmem_shared>>)
    } else {
    }
    %barrier3A = arith.constant 0 : index
    tpu.barrier barrier_id(%barrier3A)
    %dma_start3A_122 = arith.constant 0 : i32
    %dma_start3A_123 = arith.constant 0 : i32
    %dma_start3A_124 = tpu.memref_slice %arg7[%dma_start3A_122, %dma_start3A_123] : memref<80x128xi32, #tpu.memory_space<vmem>> -> memref<1x128xi32, #tpu.memory_space<vmem>>
    %dma_start3A_125 = tpu.memref_squeeze %dma_start3A_124 : memref<1x128xi32, #tpu.memory_space<vmem>> -> memref<128xi32, #tpu.memory_space<vmem>>
    %dma_start3A_126 = arith.constant 0 : i32
    %dma_start3A_127 = arith.constant 0 : i32
    %dma_start3A_128 = tpu.memref_slice %arg2[%dma_start3A_126, %dma_start3A_127] : memref<40000x64xf32, #tpu.memory_space<hbm>> -> memref<40000x64xf32, #tpu.memory_space<hbm>>
    tpu.enqueue_indirect_dma source(%dma_start3A_128 : memref<40000x64xf32, #tpu.memory_space<hbm>>) target(%arg10 : memref<128x64xf32, #tpu.memory_space<vmem>>) offsets(%dma_start3A_125 : memref<128xi32, #tpu.memory_space<vmem>>) semaphore(%arg17 : memref<!tpu.dma_semaphore, #tpu.memory_space<semaphore_mem>>)
    %scan3A_129 = arith.constant 0 : i32
    %scan3A_130 = arith.constant 0 : i32
    %scan3A_131 = arith.constant 40 : i32
    %scan3A_132 = arith.addi %scan3A_130, %scan3A_131 : i32
    %scan3A_133 = arith.constant 1 : i32
    %scan3A_134 = scf.for %scan3A_244 = %scan3A_130 to %scan3A_132 step %scan3A_133 iter_args(%scan3A_245 = %scan3A_129) -> (i32)  : i32 {
      %dma_wait3A_246 = arith.constant 0 : i32
      %dma_wait3A_247 = arith.constant 0 : i32
      %dma_wait3A_248 = tpu.memref_slice %arg2[%dma_wait3A_246, %dma_wait3A_247] : memref<40000x64xf32, #tpu.memory_space<hbm>> -> memref<128x64xf32, #tpu.memory_space<hbm>>
      %dma_wait3A_249 = arith.constant 0 : i32
      %dma_wait3A_250 = arith.constant 0 : i32
      %dma_wait3A_251 = tpu.memref_slice %arg2[%dma_wait3A_249, %dma_wait3A_250] : memref<40000x64xf32, #tpu.memory_space<hbm>> -> memref<128x64xf32, #tpu.memory_space<hbm>>
      tpu.wait_dma2 semaphore(%arg17 : memref<!tpu.dma_semaphore, #tpu.memory_space<semaphore_mem>>) src(%dma_wait3A_251 : memref<128x64xf32, #tpu.memory_space<hbm>>) dst(%arg10 : memref<128x64xf32, #tpu.memory_space<vmem>>)
      %gt3A = arith.constant 0 : i32
      %gt3A_252 = arith.cmpi sgt, %scan3A_244, %gt3A : i32
      %convert_element_type3A_253 = arith.extui %gt3A_252 : i1 to i32
      %cond3A_254 = arith.constant 0 : i32
      %cond3A_255 = arith.cmpi ne, %convert_element_type3A_253, %cond3A_254 : i32
      scf.if %cond3A_255 {
        %dma_wait3A_317 = arith.constant 0 : i32
        %dma_wait3A_318 = arith.constant 0 : i32
        %dma_wait3A_319 = tpu.memref_slice %arg15[%dma_wait3A_317, %dma_wait3A_318] : memref<10240x64xf32, #tpu.memory_space<vmem_shared>> -> memref<128x64xf32, #tpu.memory_space<vmem_shared>>
        %dma_wait3A_320 = arith.constant 0 : i32
        %dma_wait3A_321 = arith.constant 0 : i32
        %dma_wait3A_322 = tpu.memref_slice %arg15[%dma_wait3A_320, %dma_wait3A_321] : memref<10240x64xf32, #tpu.memory_space<vmem_shared>> -> memref<128x64xf32, #tpu.memory_space<vmem_shared>>
        tpu.wait_dma2 semaphore(%arg20 : memref<!tpu.dma_semaphore, #tpu.memory_space<semaphore_mem>>) src(%arg11 : memref<128x64xf32, #tpu.memory_space<vmem>>) dst(%dma_wait3A_322 : memref<128x64xf32, #tpu.memory_space<vmem_shared>>)
        %eq3A_323 = arith.constant 0 : i32
        %eq3A_324 = arith.cmpi eq, %arg0, %eq3A_323 : i32
        %convert_element_type3A_325 = arith.extui %eq3A_324 : i1 to i32
        %cond3A_326 = arith.constant 0 : i32
        %cond3A_327 = arith.cmpi ne, %convert_element_type3A_325, %cond3A_326 : i32
        scf.if %cond3A_327 {
          %dma_wait3A_333 = arith.constant 0 : i32
          %dma_wait3A_334 = arith.constant 0 : i32
          %dma_wait3A_335 = tpu.memref_slice %arg16[%dma_wait3A_333, %dma_wait3A_334] : memref<10240x16xf32, #tpu.memory_space<vmem_shared>> -> memref<128x16xf32, #tpu.memory_space<vmem_shared>>
          %dma_wait3A_336 = arith.constant 0 : i32
          %dma_wait3A_337 = arith.constant 0 : i32
          %dma_wait3A_338 = tpu.memref_slice %arg16[%dma_wait3A_336, %dma_wait3A_337] : memref<10240x16xf32, #tpu.memory_space<vmem_shared>> -> memref<128x16xf32, #tpu.memory_space<vmem_shared>>
          tpu.wait_dma2 semaphore(%arg21 : memref<!tpu.dma_semaphore, #tpu.memory_space<semaphore_mem>>) src(%arg14 : memref<128x16xf32, #tpu.memory_space<vmem>>) dst(%dma_wait3A_338 : memref<128x16xf32, #tpu.memory_space<vmem_shared>>)
        } else {
        }
        %eq3A_328 = arith.constant 0 : i32
        %eq3A_329 = arith.cmpi eq, %arg0, %eq3A_328 : i32
        %convert_element_type3A_330 = arith.extui %eq3A_329 : i1 to i32
        %cond3A_331 = arith.constant 0 : i32
        %cond3A_332 = arith.cmpi ne, %convert_element_type3A_330, %cond3A_331 : i32
        scf.if %cond3A_332 {
          %dma_wait3A_333 = arith.constant 0 : i32
          %dma_wait3A_334 = arith.constant 0 : i32
          %dma_wait3A_335 = tpu.memref_slice %arg16[%dma_wait3A_333, %dma_wait3A_334] : memref<10240x16xf32, #tpu.memory_space<vmem_shared>> -> memref<128x16xf32, #tpu.memory_space<vmem_shared>>
          %dma_wait3A_336 = arith.constant 0 : i32
          %dma_wait3A_337 = arith.constant 0 : i32
          %dma_wait3A_338 = tpu.memref_slice %arg16[%dma_wait3A_336, %dma_wait3A_337] : memref<10240x16xf32, #tpu.memory_space<vmem_shared>> -> memref<128x16xf32, #tpu.memory_space<vmem_shared>>
          tpu.wait_dma2 semaphore(%arg21 : memref<!tpu.dma_semaphore, #tpu.memory_space<semaphore_mem>>) src(%arg14 : memref<128x16xf32, #tpu.memory_space<vmem>>) dst(%dma_wait3A_338 : memref<128x16xf32, #tpu.memory_space<vmem_shared>>)
        } else {
        }
      } else {
      }
      %mul3A_256 = arith.constant 2 : i32
      %mul3A_257 = arith.muli %mul3A_256, %scan3A_244 : i32
      %add3A_258 = arith.constant 1 : i32
      %add3A_259 = arith.addi %mul3A_257, %add3A_258 : i32
      %dma_start3A_260 = arith.constant 0 : i32
      %dma_start3A_261 = tpu.memref_slice %arg7[%add3A_259, %dma_start3A_260] : memref<80x128xi32, #tpu.memory_space<vmem>> -> memref<1x128xi32, #tpu.memory_space<vmem>>
      %dma_start3A_262 = tpu.memref_squeeze %dma_start3A_261 : memref<1x128xi32, #tpu.memory_space<vmem>> -> memref<128xi32, #tpu.memory_space<vmem>>
      %dma_start3A_263 = arith.constant 0 : i32
      %dma_start3A_264 = arith.constant 0 : i32
      %dma_start3A_265 = tpu.memref_slice %arg2[%dma_start3A_263, %dma_start3A_264] : memref<40000x64xf32, #tpu.memory_space<hbm>> -> memref<40000x64xf32, #tpu.memory_space<hbm>>
      tpu.enqueue_indirect_dma source(%dma_start3A_265 : memref<40000x64xf32, #tpu.memory_space<hbm>>) target(%arg11 : memref<128x64xf32, #tpu.memory_space<vmem>>) offsets(%dma_start3A_262 : memref<128xi32, #tpu.memory_space<vmem>>) semaphore(%arg18 : memref<!tpu.dma_semaphore, #tpu.memory_space<semaphore_mem>>)
      %mul3A_266 = arith.constant 2 : i32
      %mul3A_267 = arith.muli %mul3A_266, %scan3A_244 : i32
      %dma_start3A_268 = arith.constant 0 : i32
      %dma_start3A_269 = tpu.memref_slice %arg9[%mul3A_267, %dma_start3A_268] : memref<80x128xi32, #tpu.memory_space<vmem>> -> memref<1x128xi32, #tpu.memory_space<vmem>>
      %dma_start3A_270 = tpu.memref_squeeze %dma_start3A_269 : memref<1x128xi32, #tpu.memory_space<vmem>> -> memref<128xi32, #tpu.memory_space<vmem>>
      %dma_start3A_271 = arith.constant 0 : i32
      %dma_start3A_272 = arith.constant 0 : i32
      %dma_start3A_273 = tpu.memref_slice %arg15[%dma_start3A_271, %dma_start3A_272] : memref<10240x64xf32, #tpu.memory_space<vmem_shared>> -> memref<10240x64xf32, #tpu.memory_space<vmem_shared>>
      tpu.enqueue_indirect_dma source(%arg10 : memref<128x64xf32, #tpu.memory_space<vmem>>) target(%dma_start3A_273 : memref<10240x64xf32, #tpu.memory_space<vmem_shared>>) offsets(%dma_start3A_270 : memref<128xi32, #tpu.memory_space<vmem>>) semaphore(%arg19 : memref<!tpu.dma_semaphore, #tpu.memory_space<semaphore_mem>>) {add = true}
      %mul3A_274 = arith.constant 2 : i32
      %mul3A_275 = arith.muli %mul3A_274, %scan3A_244 : i32
      %eq3A_276 = arith.constant 0 : i32
      %eq3A_277 = arith.cmpi eq, %arg0, %eq3A_276 : i32
      %convert_element_type3A_278 = arith.extui %eq3A_277 : i1 to i32
      %cond3A_279 = arith.constant 0 : i32
      %cond3A_280 = arith.cmpi ne, %convert_element_type3A_278, %cond3A_279 : i32
      scf.if %cond3A_280 {
        %dma_start3A_317 = arith.constant 0 : i32
        %dma_start3A_318 = tpu.memref_slice %arg9[%mul3A_275, %dma_start3A_317] : memref<80x128xi32, #tpu.memory_space<vmem>> -> memref<1x128xi32, #tpu.memory_space<vmem>>
        %dma_start3A_319 = tpu.memref_squeeze %dma_start3A_318 : memref<1x128xi32, #tpu.memory_space<vmem>> -> memref<128xi32, #tpu.memory_space<vmem>>
        %dma_start3A_320 = arith.constant 0 : i32
        %dma_start3A_321 = arith.constant 0 : i32
        %dma_start3A_322 = tpu.memref_slice %arg16[%dma_start3A_320, %dma_start3A_321] : memref<10240x16xf32, #tpu.memory_space<vmem_shared>> -> memref<10240x16xf32, #tpu.memory_space<vmem_shared>>
        tpu.enqueue_indirect_dma source(%arg14 : memref<128x16xf32, #tpu.memory_space<vmem>>) target(%dma_start3A_322 : memref<10240x16xf32, #tpu.memory_space<vmem_shared>>) offsets(%dma_start3A_319 : memref<128xi32, #tpu.memory_space<vmem>>) semaphore(%arg21 : memref<!tpu.dma_semaphore, #tpu.memory_space<semaphore_mem>>) {add = true}
      } else {
      }
      %dma_wait3A_281 = arith.constant 0 : i32
      %dma_wait3A_282 = arith.constant 0 : i32
      %dma_wait3A_283 = tpu.memref_slice %arg2[%dma_wait3A_281, %dma_wait3A_282] : memref<40000x64xf32, #tpu.memory_space<hbm>> -> memref<128x64xf32, #tpu.memory_space<hbm>>
      %dma_wait3A_284 = arith.constant 0 : i32
      %dma_wait3A_285 = arith.constant 0 : i32
      %dma_wait3A_286 = tpu.memref_slice %arg2[%dma_wait3A_284, %dma_wait3A_285] : memref<40000x64xf32, #tpu.memory_space<hbm>> -> memref<128x64xf32, #tpu.memory_space<hbm>>
      tpu.wait_dma2 semaphore(%arg18 : memref<!tpu.dma_semaphore, #tpu.memory_space<semaphore_mem>>) src(%dma_wait3A_286 : memref<128x64xf32, #tpu.memory_space<hbm>>) dst(%arg11 : memref<128x64xf32, #tpu.memory_space<vmem>>)
      %dma_wait3A_287 = arith.constant 0 : i32
      %dma_wait3A_288 = arith.constant 0 : i32
      %dma_wait3A_289 = tpu.memref_slice %arg15[%dma_wait3A_287, %dma_wait3A_288] : memref<10240x64xf32, #tpu.memory_space<vmem_shared>> -> memref<128x64xf32, #tpu.memory_space<vmem_shared>>
      %dma_wait3A_290 = arith.constant 0 : i32
      %dma_wait3A_291 = arith.constant 0 : i32
      %dma_wait3A_292 = tpu.memref_slice %arg15[%dma_wait3A_290, %dma_wait3A_291] : memref<10240x64xf32, #tpu.memory_space<vmem_shared>> -> memref<128x64xf32, #tpu.memory_space<vmem_shared>>
      tpu.wait_dma2 semaphore(%arg19 : memref<!tpu.dma_semaphore, #tpu.memory_space<semaphore_mem>>) src(%arg10 : memref<128x64xf32, #tpu.memory_space<vmem>>) dst(%dma_wait3A_292 : memref<128x64xf32, #tpu.memory_space<vmem_shared>>)
      %lt3A = arith.constant 39 : i32
      %lt3A_293 = arith.cmpi slt, %scan3A_244, %lt3A : i32
      %convert_element_type3A_294 = arith.extui %lt3A_293 : i1 to i32
      %cond3A_295 = arith.constant 0 : i32
      %cond3A_296 = arith.cmpi ne, %convert_element_type3A_294, %cond3A_295 : i32
      scf.if %cond3A_296 {
        %mul3A_317 = arith.constant 2 : i32
        %mul3A_318 = arith.muli %mul3A_317, %scan3A_244 : i32
        %add3A_319 = arith.constant 2 : i32
        %add3A_320 = arith.addi %mul3A_318, %add3A_319 : i32
        %dma_start3A_321 = arith.constant 0 : i32
        %dma_start3A_322 = tpu.memref_slice %arg7[%add3A_320, %dma_start3A_321] : memref<80x128xi32, #tpu.memory_space<vmem>> -> memref<1x128xi32, #tpu.memory_space<vmem>>
        %dma_start3A_323 = tpu.memref_squeeze %dma_start3A_322 : memref<1x128xi32, #tpu.memory_space<vmem>> -> memref<128xi32, #tpu.memory_space<vmem>>
        %dma_start3A_324 = arith.constant 0 : i32
        %dma_start3A_325 = arith.constant 0 : i32
        %dma_start3A_326 = tpu.memref_slice %arg2[%dma_start3A_324, %dma_start3A_325] : memref<40000x64xf32, #tpu.memory_space<hbm>> -> memref<40000x64xf32, #tpu.memory_space<hbm>>
        tpu.enqueue_indirect_dma source(%dma_start3A_326 : memref<40000x64xf32, #tpu.memory_space<hbm>>) target(%arg10 : memref<128x64xf32, #tpu.memory_space<vmem>>) offsets(%dma_start3A_323 : memref<128xi32, #tpu.memory_space<vmem>>) semaphore(%arg17 : memref<!tpu.dma_semaphore, #tpu.memory_space<semaphore_mem>>)
      } else {
      }
      %mul3A_297 = arith.constant 2 : i32
      %mul3A_298 = arith.muli %mul3A_297, %scan3A_244 : i32
      %add3A_299 = arith.constant 1 : i32
      %add3A_300 = arith.addi %mul3A_298, %add3A_299 : i32
      %dma_start3A_301 = arith.constant 0 : i32
      %dma_start3A_302 = tpu.memref_slice %arg9[%add3A_300, %dma_start3A_301] : memref<80x128xi32, #tpu.memory_space<vmem>> -> memref<1x128xi32, #tpu.memory_space<vmem>>
      %dma_start3A_303 = tpu.memref_squeeze %dma_start3A_302 : memref<1x128xi32, #tpu.memory_space<vmem>> -> memref<128xi32, #tpu.memory_space<vmem>>
      %dma_start3A_304 = arith.constant 0 : i32
      %dma_start3A_305 = arith.constant 0 : i32
      %dma_start3A_306 = tpu.memref_slice %arg15[%dma_start3A_304, %dma_start3A_305] : memref<10240x64xf32, #tpu.memory_space<vmem_shared>> -> memref<10240x64xf32, #tpu.memory_space<vmem_shared>>
      tpu.enqueue_indirect_dma source(%arg11 : memref<128x64xf32, #tpu.memory_space<vmem>>) target(%dma_start3A_306 : memref<10240x64xf32, #tpu.memory_space<vmem_shared>>) offsets(%dma_start3A_303 : memref<128xi32, #tpu.memory_space<vmem>>) semaphore(%arg20 : memref<!tpu.dma_semaphore, #tpu.memory_space<semaphore_mem>>) {add = true}
      %mul3A_307 = arith.constant 2 : i32
      %mul3A_308 = arith.muli %mul3A_307, %scan3A_244 : i32
      %add3A_309 = arith.constant 1 : i32
      %add3A_310 = arith.addi %mul3A_308, %add3A_309 : i32
      %eq3A_311 = arith.constant 0 : i32
      %eq3A_312 = arith.cmpi eq, %arg0, %eq3A_311 : i32
      %convert_element_type3A_313 = arith.extui %eq3A_312 : i1 to i32
      %cond3A_314 = arith.constant 0 : i32
      %cond3A_315 = arith.cmpi ne, %convert_element_type3A_313, %cond3A_314 : i32
      scf.if %cond3A_315 {
        %dma_start3A_317 = arith.constant 0 : i32
        %dma_start3A_318 = tpu.memref_slice %arg9[%add3A_310, %dma_start3A_317] : memref<80x128xi32, #tpu.memory_space<vmem>> -> memref<1x128xi32, #tpu.memory_space<vmem>>
        %dma_start3A_319 = tpu.memref_squeeze %dma_start3A_318 : memref<1x128xi32, #tpu.memory_space<vmem>> -> memref<128xi32, #tpu.memory_space<vmem>>
        %dma_start3A_320 = arith.constant 0 : i32
        %dma_start3A_321 = arith.constant 0 : i32
        %dma_start3A_322 = tpu.memref_slice %arg16[%dma_start3A_320, %dma_start3A_321] : memref<10240x16xf32, #tpu.memory_space<vmem_shared>> -> memref<10240x16xf32, #tpu.memory_space<vmem_shared>>
        tpu.enqueue_indirect_dma source(%arg14 : memref<128x16xf32, #tpu.memory_space<vmem>>) target(%dma_start3A_322 : memref<10240x16xf32, #tpu.memory_space<vmem_shared>>) offsets(%dma_start3A_319 : memref<128xi32, #tpu.memory_space<vmem>>) semaphore(%arg21 : memref<!tpu.dma_semaphore, #tpu.memory_space<semaphore_mem>>) {add = true}
      } else {
      }
      %scan3A_316 = arith.constant 0 : i32
      scf.yield %scan3A_316 : i32
    }
    %scan3A_135 = arith.constant 40 : i32
    %dma_wait3A_136 = arith.constant 0 : i32
    %dma_wait3A_137 = arith.constant 0 : i32
    %dma_wait3A_138 = tpu.memref_slice %arg15[%dma_wait3A_136, %dma_wait3A_137] : memref<10240x64xf32, #tpu.memory_space<vmem_shared>> -> memref<128x64xf32, #tpu.memory_space<vmem_shared>>
    %dma_wait3A_139 = arith.constant 0 : i32
    %dma_wait3A_140 = arith.constant 0 : i32
    %dma_wait3A_141 = tpu.memref_slice %arg15[%dma_wait3A_139, %dma_wait3A_140] : memref<10240x64xf32, #tpu.memory_space<vmem_shared>> -> memref<128x64xf32, #tpu.memory_space<vmem_shared>>
    tpu.wait_dma2 semaphore(%arg20 : memref<!tpu.dma_semaphore, #tpu.memory_space<semaphore_mem>>) src(%arg11 : memref<128x64xf32, #tpu.memory_space<vmem>>) dst(%dma_wait3A_141 : memref<128x64xf32, #tpu.memory_space<vmem_shared>>)
    %eq3A_142 = arith.constant 0 : i32
    %eq3A_143 = arith.cmpi eq, %arg0, %eq3A_142 : i32
    %convert_element_type3A_144 = arith.extui %eq3A_143 : i1 to i32
    %cond3A_145 = arith.constant 0 : i32
    %cond3A_146 = arith.cmpi ne, %convert_element_type3A_144, %cond3A_145 : i32
    scf.if %cond3A_146 {
      %dma_wait3A_244 = arith.constant 0 : i32
      %dma_wait3A_245 = arith.constant 0 : i32
      %dma_wait3A_246 = tpu.memref_slice %arg16[%dma_wait3A_244, %dma_wait3A_245] : memref<10240x16xf32, #tpu.memory_space<vmem_shared>> -> memref<128x16xf32, #tpu.memory_space<vmem_shared>>
      %dma_wait3A_247 = arith.constant 0 : i32
      %dma_wait3A_248 = arith.constant 0 : i32
      %dma_wait3A_249 = tpu.memref_slice %arg16[%dma_wait3A_247, %dma_wait3A_248] : memref<10240x16xf32, #tpu.memory_space<vmem_shared>> -> memref<128x16xf32, #tpu.memory_space<vmem_shared>>
      tpu.wait_dma2 semaphore(%arg21 : memref<!tpu.dma_semaphore, #tpu.memory_space<semaphore_mem>>) src(%arg14 : memref<128x16xf32, #tpu.memory_space<vmem>>) dst(%dma_wait3A_249 : memref<128x16xf32, #tpu.memory_space<vmem_shared>>)
    } else {
    }
    %eq3A_147 = arith.constant 0 : i32
    %eq3A_148 = arith.cmpi eq, %arg0, %eq3A_147 : i32
    %convert_element_type3A_149 = arith.extui %eq3A_148 : i1 to i32
    %cond3A_150 = arith.constant 0 : i32
    %cond3A_151 = arith.cmpi ne, %convert_element_type3A_149, %cond3A_150 : i32
    scf.if %cond3A_151 {
      %dma_wait3A_244 = arith.constant 0 : i32
      %dma_wait3A_245 = arith.constant 0 : i32
      %dma_wait3A_246 = tpu.memref_slice %arg16[%dma_wait3A_244, %dma_wait3A_245] : memref<10240x16xf32, #tpu.memory_space<vmem_shared>> -> memref<128x16xf32, #tpu.memory_space<vmem_shared>>
      %dma_wait3A_247 = arith.constant 0 : i32
      %dma_wait3A_248 = arith.constant 0 : i32
      %dma_wait3A_249 = tpu.memref_slice %arg16[%dma_wait3A_247, %dma_wait3A_248] : memref<10240x16xf32, #tpu.memory_space<vmem_shared>> -> memref<128x16xf32, #tpu.memory_space<vmem_shared>>
      tpu.wait_dma2 semaphore(%arg21 : memref<!tpu.dma_semaphore, #tpu.memory_space<semaphore_mem>>) src(%arg14 : memref<128x16xf32, #tpu.memory_space<vmem>>) dst(%dma_wait3A_249 : memref<128x16xf32, #tpu.memory_space<vmem_shared>>)
    } else {
    }
    %barrier3A_152 = arith.constant 0 : index
    tpu.barrier barrier_id(%barrier3A_152)
    %mul3A_153 = arith.constant 640 : i32
    %mul3A_154 = arith.muli %arg1, %mul3A_153 : i32
    %mul3A_155 = arith.constant 640 : i32
    %mul3A_156 = arith.muli %arg1, %mul3A_155 : i32
    "tpu.region"() ({
      %run_scoped3A = tpu.sem_alloc : memref<!tpu.dma_semaphore, #tpu.memory_space<semaphore_mem>>
      %dma_start3A_244 = arith.constant 0 : i32
      %dma_start3A_245 = tpu.memref_slice %arg5[%arg0, %mul3A_156, %dma_start3A_244] : memref<2x10240x128xf32, #tpu.memory_space<hbm>> -> memref<1x640x64xf32, #tpu.memory_space<hbm>>
      %dma_start3A_246 = tpu.memref_squeeze %dma_start3A_245 : memref<1x640x64xf32, #tpu.memory_space<hbm>> -> memref<640x64xf32, #tpu.memory_space<hbm>>
      %dma_start3A_247 = arith.constant 0 : i32
      %dma_start3A_248 = tpu.memref_slice %arg15[%mul3A_154, %dma_start3A_247] : memref<10240x64xf32, #tpu.memory_space<vmem_shared>> -> memref<640x64xf32, #tpu.memory_space<vmem_shared>>
      tpu.enqueue_dma source(%dma_start3A_248 : memref<640x64xf32, #tpu.memory_space<vmem_shared>>) target(%dma_start3A_246 : memref<640x64xf32, #tpu.memory_space<hbm>>) target_semaphore(%run_scoped3A : memref<!tpu.dma_semaphore, #tpu.memory_space<semaphore_mem>>)
      %dma_wait3A_249 = arith.constant 0 : i32
      %dma_wait3A_250 = tpu.memref_slice %arg5[%arg0, %mul3A_156, %dma_wait3A_249] : memref<2x10240x128xf32, #tpu.memory_space<hbm>> -> memref<1x640x64xf32, #tpu.memory_space<hbm>>
      %dma_wait3A_251 = tpu.memref_squeeze %dma_wait3A_250 : memref<1x640x64xf32, #tpu.memory_space<hbm>> -> memref<640x64xf32, #tpu.memory_space<hbm>>
      %dma_wait3A_252 = arith.constant 0 : i32
      %dma_wait3A_253 = tpu.memref_slice %arg15[%mul3A_154, %dma_wait3A_252] : memref<10240x64xf32, #tpu.memory_space<vmem_shared>> -> memref<640x64xf32, #tpu.memory_space<vmem_shared>>
      tpu.wait_dma2 semaphore(%run_scoped3A : memref<!tpu.dma_semaphore, #tpu.memory_space<semaphore_mem>>) src(%dma_wait3A_253 : memref<640x64xf32, #tpu.memory_space<vmem_shared>>) dst(%dma_wait3A_251 : memref<640x64xf32, #tpu.memory_space<hbm>>)
      tpu.yield
    }) : () -> ()
    %eq3A_157 = arith.constant 0 : i32
    %eq3A_158 = arith.cmpi eq, %arg0, %eq3A_157 : i32
    %convert_element_type3A_159 = arith.extui %eq3A_158 : i1 to i32
    %cond3A_160 = arith.constant 0 : i32
    %cond3A_161 = arith.cmpi ne, %convert_element_type3A_159, %cond3A_160 : i32
    scf.if %cond3A_161 {
      %mul3A_244 = arith.constant 640 : i32
      %mul3A_245 = arith.muli %arg1, %mul3A_244 : i32
      %mul3A_246 = arith.constant 640 : i32
      %mul3A_247 = arith.muli %arg1, %mul3A_246 : i32
      "tpu.region"() ({
        %run_scoped3A = tpu.sem_alloc : memref<!tpu.dma_semaphore, #tpu.memory_space<semaphore_mem>>
        %dma_start3A_248 = arith.constant 0 : i32
        %dma_start3A_249 = tpu.memref_slice %arg6[%mul3A_247, %dma_start3A_248] : memref<10240x16xf32, #tpu.memory_space<hbm>> -> memref<640x16xf32, #tpu.memory_space<hbm>>
        %dma_start3A_250 = arith.constant 0 : i32
        %dma_start3A_251 = tpu.memref_slice %arg16[%mul3A_245, %dma_start3A_250] : memref<10240x16xf32, #tpu.memory_space<vmem_shared>> -> memref<640x16xf32, #tpu.memory_space<vmem_shared>>
        tpu.enqueue_dma source(%dma_start3A_251 : memref<640x16xf32, #tpu.memory_space<vmem_shared>>) target(%dma_start3A_249 : memref<640x16xf32, #tpu.memory_space<hbm>>) target_semaphore(%run_scoped3A : memref<!tpu.dma_semaphore, #tpu.memory_space<semaphore_mem>>)
        %dma_wait3A_252 = arith.constant 0 : i32
        %dma_wait3A_253 = tpu.memref_slice %arg6[%mul3A_247, %dma_wait3A_252] : memref<10240x16xf32, #tpu.memory_space<hbm>> -> memref<640x16xf32, #tpu.memory_space<hbm>>
        %dma_wait3A_254 = arith.constant 0 : i32
        %dma_wait3A_255 = tpu.memref_slice %arg16[%mul3A_245, %dma_wait3A_254] : memref<10240x16xf32, #tpu.memory_space<vmem_shared>> -> memref<640x16xf32, #tpu.memory_space<vmem_shared>>
        tpu.wait_dma2 semaphore(%run_scoped3A : memref<!tpu.dma_semaphore, #tpu.memory_space<semaphore_mem>>) src(%dma_wait3A_255 : memref<640x16xf32, #tpu.memory_space<vmem_shared>>) dst(%dma_wait3A_253 : memref<640x16xf32, #tpu.memory_space<hbm>>)
        tpu.yield
      }) : () -> ()
    } else {
    }
    %mul3A_162 = arith.constant 640 : i32
    %mul3A_163 = arith.muli %arg1, %mul3A_162 : i32
    %add3A_164 = arith.constant 0 : i32
    %add3A_165 = arith.addi %mul3A_163, %add3A_164 : i32
    %dma_start3A_166 = arith.constant 0 : i32
    %dma_start3A_167 = tpu.memref_slice %arg15[%add3A_165, %dma_start3A_166] : memref<10240x64xf32, #tpu.memory_space<vmem_shared>> -> memref<160x64xf32, #tpu.memory_space<vmem_shared>>
    %dma_start3A_168 = arith.constant 0 : i32
    %dma_start3A_169 = tpu.memref_slice %arg15[%add3A_165, %dma_start3A_168] : memref<10240x64xf32, #tpu.memory_space<vmem_shared>> -> memref<160x64xf32, #tpu.memory_space<vmem_shared>>
    tpu.enqueue_dma source(%arg12 : memref<160x64xf32, #tpu.memory_space<vmem>>) target(%dma_start3A_169 : memref<160x64xf32, #tpu.memory_space<vmem_shared>>) target_semaphore(%arg22 : memref<!tpu.dma_semaphore, #tpu.memory_space<semaphore_mem>>)
    %mul3A_170 = arith.constant 640 : i32
    %mul3A_171 = arith.muli %arg1, %mul3A_170 : i32
    %add3A_172 = arith.constant 160 : i32
    %add3A_173 = arith.addi %mul3A_171, %add3A_172 : i32
    %dma_start3A_174 = arith.constant 0 : i32
    %dma_start3A_175 = tpu.memref_slice %arg15[%add3A_173, %dma_start3A_174] : memref<10240x64xf32, #tpu.memory_space<vmem_shared>> -> memref<160x64xf32, #tpu.memory_space<vmem_shared>>
    %dma_start3A_176 = arith.constant 0 : i32
    %dma_start3A_177 = tpu.memref_slice %arg15[%add3A_173, %dma_start3A_176] : memref<10240x64xf32, #tpu.memory_space<vmem_shared>> -> memref<160x64xf32, #tpu.memory_space<vmem_shared>>
    tpu.enqueue_dma source(%arg12 : memref<160x64xf32, #tpu.memory_space<vmem>>) target(%dma_start3A_177 : memref<160x64xf32, #tpu.memory_space<vmem_shared>>) target_semaphore(%arg22 : memref<!tpu.dma_semaphore, #tpu.memory_space<semaphore_mem>>)
    %mul3A_178 = arith.constant 640 : i32
    %mul3A_179 = arith.muli %arg1, %mul3A_178 : i32
    %add3A_180 = arith.constant 320 : i32
    %add3A_181 = arith.addi %mul3A_179, %add3A_180 : i32
    %dma_start3A_182 = arith.constant 0 : i32
    %dma_start3A_183 = tpu.memref_slice %arg15[%add3A_181, %dma_start3A_182] : memref<10240x64xf32, #tpu.memory_space<vmem_shared>> -> memref<160x64xf32, #tpu.memory_space<vmem_shared>>
    %dma_start3A_184 = arith.constant 0 : i32
    %dma_start3A_185 = tpu.memref_slice %arg15[%add3A_181, %dma_start3A_184] : memref<10240x64xf32, #tpu.memory_space<vmem_shared>> -> memref<160x64xf32, #tpu.memory_space<vmem_shared>>
    tpu.enqueue_dma source(%arg12 : memref<160x64xf32, #tpu.memory_space<vmem>>) target(%dma_start3A_185 : memref<160x64xf32, #tpu.memory_space<vmem_shared>>) target_semaphore(%arg22 : memref<!tpu.dma_semaphore, #tpu.memory_space<semaphore_mem>>)
    %mul3A_186 = arith.constant 640 : i32
    %mul3A_187 = arith.muli %arg1, %mul3A_186 : i32
    %add3A_188 = arith.constant 480 : i32
    %add3A_189 = arith.addi %mul3A_187, %add3A_188 : i32
    %dma_start3A_190 = arith.constant 0 : i32
    %dma_start3A_191 = tpu.memref_slice %arg15[%add3A_189, %dma_start3A_190] : memref<10240x64xf32, #tpu.memory_space<vmem_shared>> -> memref<160x64xf32, #tpu.memory_space<vmem_shared>>
    %dma_start3A_192 = arith.constant 0 : i32
    %dma_start3A_193 = tpu.memref_slice %arg15[%add3A_189, %dma_start3A_192] : memref<10240x64xf32, #tpu.memory_space<vmem_shared>> -> memref<160x64xf32, #tpu.memory_space<vmem_shared>>
    tpu.enqueue_dma source(%arg12 : memref<160x64xf32, #tpu.memory_space<vmem>>) target(%dma_start3A_193 : memref<160x64xf32, #tpu.memory_space<vmem_shared>>) target_semaphore(%arg22 : memref<!tpu.dma_semaphore, #tpu.memory_space<semaphore_mem>>)
    %dma_wait3A_194 = arith.constant 0 : i32
    %dma_wait3A_195 = arith.constant 0 : i32
    %dma_wait3A_196 = tpu.memref_slice %arg15[%dma_wait3A_194, %dma_wait3A_195] : memref<10240x64xf32, #tpu.memory_space<vmem_shared>> -> memref<160x64xf32, #tpu.memory_space<vmem_shared>>
    %dma_wait3A_197 = arith.constant 0 : i32
    %dma_wait3A_198 = arith.constant 0 : i32
    %dma_wait3A_199 = tpu.memref_slice %arg15[%dma_wait3A_197, %dma_wait3A_198] : memref<10240x64xf32, #tpu.memory_space<vmem_shared>> -> memref<160x64xf32, #tpu.memory_space<vmem_shared>>
    tpu.wait_dma2 semaphore(%arg22 : memref<!tpu.dma_semaphore, #tpu.memory_space<semaphore_mem>>) src(%arg12 : memref<160x64xf32, #tpu.memory_space<vmem>>) dst(%dma_wait3A_199 : memref<160x64xf32, #tpu.memory_space<vmem_shared>>)
    %dma_wait3A_200 = arith.constant 0 : i32
    %dma_wait3A_201 = arith.constant 0 : i32
    %dma_wait3A_202 = tpu.memref_slice %arg15[%dma_wait3A_200, %dma_wait3A_201] : memref<10240x64xf32, #tpu.memory_space<vmem_shared>> -> memref<160x64xf32, #tpu.memory_space<vmem_shared>>
    %dma_wait3A_203 = arith.constant 0 : i32
    %dma_wait3A_204 = arith.constant 0 : i32
    %dma_wait3A_205 = tpu.memref_slice %arg15[%dma_wait3A_203, %dma_wait3A_204] : memref<10240x64xf32, #tpu.memory_space<vmem_shared>> -> memref<160x64xf32, #tpu.memory_space<vmem_shared>>
    tpu.wait_dma2 semaphore(%arg22 : memref<!tpu.dma_semaphore, #tpu.memory_space<semaphore_mem>>) src(%arg12 : memref<160x64xf32, #tpu.memory_space<vmem>>) dst(%dma_wait3A_205 : memref<160x64xf32, #tpu.memory_space<vmem_shared>>)
    %dma_wait3A_206 = arith.constant 0 : i32
    %dma_wait3A_207 = arith.constant 0 : i32
    %dma_wait3A_208 = tpu.memref_slice %arg15[%dma_wait3A_206, %dma_wait3A_207] : memref<10240x64xf32, #tpu.memory_space<vmem_shared>> -> memref<160x64xf32, #tpu.memory_space<vmem_shared>>
    %dma_wait3A_209 = arith.constant 0 : i32
    %dma_wait3A_210 = arith.constant 0 : i32
    %dma_wait3A_211 = tpu.memref_slice %arg15[%dma_wait3A_209, %dma_wait3A_210] : memref<10240x64xf32, #tpu.memory_space<vmem_shared>> -> memref<160x64xf32, #tpu.memory_space<vmem_shared>>
    tpu.wait_dma2 semaphore(%arg22 : memref<!tpu.dma_semaphore, #tpu.memory_space<semaphore_mem>>) src(%arg12 : memref<160x64xf32, #tpu.memory_space<vmem>>) dst(%dma_wait3A_211 : memref<160x64xf32, #tpu.memory_space<vmem_shared>>)
    %dma_wait3A_212 = arith.constant 0 : i32
    %dma_wait3A_213 = arith.constant 0 : i32
    %dma_wait3A_214 = tpu.memref_slice %arg15[%dma_wait3A_212, %dma_wait3A_213] : memref<10240x64xf32, #tpu.memory_space<vmem_shared>> -> memref<160x64xf32, #tpu.memory_space<vmem_shared>>
    %dma_wait3A_215 = arith.constant 0 : i32
    %dma_wait3A_216 = arith.constant 0 : i32
    %dma_wait3A_217 = tpu.memref_slice %arg15[%dma_wait3A_215, %dma_wait3A_216] : memref<10240x64xf32, #tpu.memory_space<vmem_shared>> -> memref<160x64xf32, #tpu.memory_space<vmem_shared>>
    tpu.wait_dma2 semaphore(%arg22 : memref<!tpu.dma_semaphore, #tpu.memory_space<semaphore_mem>>) src(%arg12 : memref<160x64xf32, #tpu.memory_space<vmem>>) dst(%dma_wait3A_217 : memref<160x64xf32, #tpu.memory_space<vmem_shared>>)
    %barrier3A_218 = arith.constant 0 : index
    tpu.barrier barrier_id(%barrier3A_218)
    %dma_start3A_219 = arith.constant 0 : i32
    %dma_start3A_220 = arith.constant 0 : i32
    %dma_start3A_221 = tpu.memref_slice %arg8[%dma_start3A_219, %dma_start3A_220] : memref<80x128xi32, #tpu.memory_space<vmem>> -> memref<1x128xi32, #tpu.memory_space<vmem>>
    %dma_start3A_222 = tpu.memref_squeeze %dma_start3A_221 : memref<1x128xi32, #tpu.memory_space<vmem>> -> memref<128xi32, #tpu.memory_space<vmem>>
    %dma_start3A_223 = arith.constant 0 : i32
    %dma_start3A_224 = arith.constant 0 : i32
    %dma_start3A_225 = tpu.memref_slice %arg2[%dma_start3A_223, %dma_start3A_224] : memref<40000x64xf32, #tpu.memory_space<hbm>> -> memref<40000x64xf32, #tpu.memory_space<hbm>>
    tpu.enqueue_indirect_dma source(%dma_start3A_225 : memref<40000x64xf32, #tpu.memory_space<hbm>>) target(%arg10 : memref<128x64xf32, #tpu.memory_space<vmem>>) offsets(%dma_start3A_222 : memref<128xi32, #tpu.memory_space<vmem>>) semaphore(%arg17 : memref<!tpu.dma_semaphore, #tpu.memory_space<semaphore_mem>>)
    %scan3A_226 = arith.constant 0 : i32
    %scan3A_227 = arith.constant 0 : i32
    %scan3A_228 = arith.constant 40 : i32
    %scan3A_229 = arith.addi %scan3A_227, %scan3A_228 : i32
    %scan3A_230 = arith.constant 1 : i32
    %scan3A_231 = scf.for %scan3A_244 = %scan3A_227 to %scan3A_229 step %scan3A_230 iter_args(%scan3A_245 = %scan3A_226) -> (i32)  : i32 {
      %dma_wait3A_246 = arith.constant 0 : i32
      %dma_wait3A_247 = arith.constant 0 : i32
      %dma_wait3A_248 = tpu.memref_slice %arg2[%dma_wait3A_246, %dma_wait3A_247] : memref<40000x64xf32, #tpu.memory_space<hbm>> -> memref<128x64xf32, #tpu.memory_space<hbm>>
      %dma_wait3A_249 = arith.constant 0 : i32
      %dma_wait3A_250 = arith.constant 0 : i32
      %dma_wait3A_251 = tpu.memref_slice %arg2[%dma_wait3A_249, %dma_wait3A_250] : memref<40000x64xf32, #tpu.memory_space<hbm>> -> memref<128x64xf32, #tpu.memory_space<hbm>>
      tpu.wait_dma2 semaphore(%arg17 : memref<!tpu.dma_semaphore, #tpu.memory_space<semaphore_mem>>) src(%dma_wait3A_251 : memref<128x64xf32, #tpu.memory_space<hbm>>) dst(%arg10 : memref<128x64xf32, #tpu.memory_space<vmem>>)
      %gt3A = arith.constant 0 : i32
      %gt3A_252 = arith.cmpi sgt, %scan3A_244, %gt3A : i32
      %convert_element_type3A_253 = arith.extui %gt3A_252 : i1 to i32
      %cond3A_254 = arith.constant 0 : i32
      %cond3A_255 = arith.cmpi ne, %convert_element_type3A_253, %cond3A_254 : i32
      scf.if %cond3A_255 {
        %dma_wait3A_307 = arith.constant 0 : i32
        %dma_wait3A_308 = arith.constant 0 : i32
        %dma_wait3A_309 = tpu.memref_slice %arg15[%dma_wait3A_307, %dma_wait3A_308] : memref<10240x64xf32, #tpu.memory_space<vmem_shared>> -> memref<128x64xf32, #tpu.memory_space<vmem_shared>>
        %dma_wait3A_310 = arith.constant 0 : i32
        %dma_wait3A_311 = arith.constant 0 : i32
        %dma_wait3A_312 = tpu.memref_slice %arg15[%dma_wait3A_310, %dma_wait3A_311] : memref<10240x64xf32, #tpu.memory_space<vmem_shared>> -> memref<128x64xf32, #tpu.memory_space<vmem_shared>>
        tpu.wait_dma2 semaphore(%arg20 : memref<!tpu.dma_semaphore, #tpu.memory_space<semaphore_mem>>) src(%arg11 : memref<128x64xf32, #tpu.memory_space<vmem>>) dst(%dma_wait3A_312 : memref<128x64xf32, #tpu.memory_space<vmem_shared>>)
      } else {
      }
      %mul3A_256 = arith.constant 2 : i32
      %mul3A_257 = arith.muli %mul3A_256, %scan3A_244 : i32
      %add3A_258 = arith.constant 1 : i32
      %add3A_259 = arith.addi %mul3A_257, %add3A_258 : i32
      %dma_start3A_260 = arith.constant 0 : i32
      %dma_start3A_261 = tpu.memref_slice %arg8[%add3A_259, %dma_start3A_260] : memref<80x128xi32, #tpu.memory_space<vmem>> -> memref<1x128xi32, #tpu.memory_space<vmem>>
      %dma_start3A_262 = tpu.memref_squeeze %dma_start3A_261 : memref<1x128xi32, #tpu.memory_space<vmem>> -> memref<128xi32, #tpu.memory_space<vmem>>
      %dma_start3A_263 = arith.constant 0 : i32
      %dma_start3A_264 = arith.constant 0 : i32
      %dma_start3A_265 = tpu.memref_slice %arg2[%dma_start3A_263, %dma_start3A_264] : memref<40000x64xf32, #tpu.memory_space<hbm>> -> memref<40000x64xf32, #tpu.memory_space<hbm>>
      tpu.enqueue_indirect_dma source(%dma_start3A_265 : memref<40000x64xf32, #tpu.memory_space<hbm>>) target(%arg11 : memref<128x64xf32, #tpu.memory_space<vmem>>) offsets(%dma_start3A_262 : memref<128xi32, #tpu.memory_space<vmem>>) semaphore(%arg18 : memref<!tpu.dma_semaphore, #tpu.memory_space<semaphore_mem>>)
      %mul3A_266 = arith.constant 2 : i32
      %mul3A_267 = arith.muli %mul3A_266, %scan3A_244 : i32
      %dma_start3A_268 = arith.constant 0 : i32
      %dma_start3A_269 = tpu.memref_slice %arg9[%mul3A_267, %dma_start3A_268] : memref<80x128xi32, #tpu.memory_space<vmem>> -> memref<1x128xi32, #tpu.memory_space<vmem>>
      %dma_start3A_270 = tpu.memref_squeeze %dma_start3A_269 : memref<1x128xi32, #tpu.memory_space<vmem>> -> memref<128xi32, #tpu.memory_space<vmem>>
      %dma_start3A_271 = arith.constant 0 : i32
      %dma_start3A_272 = arith.constant 0 : i32
      %dma_start3A_273 = tpu.memref_slice %arg15[%dma_start3A_271, %dma_start3A_272] : memref<10240x64xf32, #tpu.memory_space<vmem_shared>> -> memref<10240x64xf32, #tpu.memory_space<vmem_shared>>
      tpu.enqueue_indirect_dma source(%arg10 : memref<128x64xf32, #tpu.memory_space<vmem>>) target(%dma_start3A_273 : memref<10240x64xf32, #tpu.memory_space<vmem_shared>>) offsets(%dma_start3A_270 : memref<128xi32, #tpu.memory_space<vmem>>) semaphore(%arg19 : memref<!tpu.dma_semaphore, #tpu.memory_space<semaphore_mem>>) {add = true}
      %mul3A_274 = arith.constant 2 : i32
      %mul3A_275 = arith.muli %mul3A_274, %scan3A_244 : i32
      %dma_wait3A_276 = arith.constant 0 : i32
      %dma_wait3A_277 = arith.constant 0 : i32
      %dma_wait3A_278 = tpu.memref_slice %arg2[%dma_wait3A_276, %dma_wait3A_277] : memref<40000x64xf32, #tpu.memory_space<hbm>> -> memref<128x64xf32, #tpu.memory_space<hbm>>
      %dma_wait3A_279 = arith.constant 0 : i32
      %dma_wait3A_280 = arith.constant 0 : i32
      %dma_wait3A_281 = tpu.memref_slice %arg2[%dma_wait3A_279, %dma_wait3A_280] : memref<40000x64xf32, #tpu.memory_space<hbm>> -> memref<128x64xf32, #tpu.memory_space<hbm>>
      tpu.wait_dma2 semaphore(%arg18 : memref<!tpu.dma_semaphore, #tpu.memory_space<semaphore_mem>>) src(%dma_wait3A_281 : memref<128x64xf32, #tpu.memory_space<hbm>>) dst(%arg11 : memref<128x64xf32, #tpu.memory_space<vmem>>)
      %dma_wait3A_282 = arith.constant 0 : i32
      %dma_wait3A_283 = arith.constant 0 : i32
      %dma_wait3A_284 = tpu.memref_slice %arg15[%dma_wait3A_282, %dma_wait3A_283] : memref<10240x64xf32, #tpu.memory_space<vmem_shared>> -> memref<128x64xf32, #tpu.memory_space<vmem_shared>>
      %dma_wait3A_285 = arith.constant 0 : i32
      %dma_wait3A_286 = arith.constant 0 : i32
      %dma_wait3A_287 = tpu.memref_slice %arg15[%dma_wait3A_285, %dma_wait3A_286] : memref<10240x64xf32, #tpu.memory_space<vmem_shared>> -> memref<128x64xf32, #tpu.memory_space<vmem_shared>>
      tpu.wait_dma2 semaphore(%arg19 : memref<!tpu.dma_semaphore, #tpu.memory_space<semaphore_mem>>) src(%arg10 : memref<128x64xf32, #tpu.memory_space<vmem>>) dst(%dma_wait3A_287 : memref<128x64xf32, #tpu.memory_space<vmem_shared>>)
      %lt3A = arith.constant 39 : i32
      %lt3A_288 = arith.cmpi slt, %scan3A_244, %lt3A : i32
      %convert_element_type3A_289 = arith.extui %lt3A_288 : i1 to i32
      %cond3A_290 = arith.constant 0 : i32
      %cond3A_291 = arith.cmpi ne, %convert_element_type3A_289, %cond3A_290 : i32
      scf.if %cond3A_291 {
        %mul3A_307 = arith.constant 2 : i32
        %mul3A_308 = arith.muli %mul3A_307, %scan3A_244 : i32
        %add3A_309 = arith.constant 2 : i32
        %add3A_310 = arith.addi %mul3A_308, %add3A_309 : i32
        %dma_start3A_311 = arith.constant 0 : i32
        %dma_start3A_312 = tpu.memref_slice %arg8[%add3A_310, %dma_start3A_311] : memref<80x128xi32, #tpu.memory_space<vmem>> -> memref<1x128xi32, #tpu.memory_space<vmem>>
        %dma_start3A_313 = tpu.memref_squeeze %dma_start3A_312 : memref<1x128xi32, #tpu.memory_space<vmem>> -> memref<128xi32, #tpu.memory_space<vmem>>
        %dma_start3A_314 = arith.constant 0 : i32
        %dma_start3A_315 = arith.constant 0 : i32
        %dma_start3A_316 = tpu.memref_slice %arg2[%dma_start3A_314, %dma_start3A_315] : memref<40000x64xf32, #tpu.memory_space<hbm>> -> memref<40000x64xf32, #tpu.memory_space<hbm>>
        tpu.enqueue_indirect_dma source(%dma_start3A_316 : memref<40000x64xf32, #tpu.memory_space<hbm>>) target(%arg10 : memref<128x64xf32, #tpu.memory_space<vmem>>) offsets(%dma_start3A_313 : memref<128xi32, #tpu.memory_space<vmem>>) semaphore(%arg17 : memref<!tpu.dma_semaphore, #tpu.memory_space<semaphore_mem>>)
      } else {
      }
      %mul3A_292 = arith.constant 2 : i32
      %mul3A_293 = arith.muli %mul3A_292, %scan3A_244 : i32
      %add3A_294 = arith.constant 1 : i32
      %add3A_295 = arith.addi %mul3A_293, %add3A_294 : i32
      %dma_start3A_296 = arith.constant 0 : i32
      %dma_start3A_297 = tpu.memref_slice %arg9[%add3A_295, %dma_start3A_296] : memref<80x128xi32, #tpu.memory_space<vmem>> -> memref<1x128xi32, #tpu.memory_space<vmem>>
      %dma_start3A_298 = tpu.memref_squeeze %dma_start3A_297 : memref<1x128xi32, #tpu.memory_space<vmem>> -> memref<128xi32, #tpu.memory_space<vmem>>
      %dma_start3A_299 = arith.constant 0 : i32
      %dma_start3A_300 = arith.constant 0 : i32
      %dma_start3A_301 = tpu.memref_slice %arg15[%dma_start3A_299, %dma_start3A_300] : memref<10240x64xf32, #tpu.memory_space<vmem_shared>> -> memref<10240x64xf32, #tpu.memory_space<vmem_shared>>
      tpu.enqueue_indirect_dma source(%arg11 : memref<128x64xf32, #tpu.memory_space<vmem>>) target(%dma_start3A_301 : memref<10240x64xf32, #tpu.memory_space<vmem_shared>>) offsets(%dma_start3A_298 : memref<128xi32, #tpu.memory_space<vmem>>) semaphore(%arg20 : memref<!tpu.dma_semaphore, #tpu.memory_space<semaphore_mem>>) {add = true}
      %mul3A_302 = arith.constant 2 : i32
      %mul3A_303 = arith.muli %mul3A_302, %scan3A_244 : i32
      %add3A_304 = arith.constant 1 : i32
      %add3A_305 = arith.addi %mul3A_303, %add3A_304 : i32
      %scan3A_306 = arith.constant 0 : i32
      scf.yield %scan3A_306 : i32
    }
    %scan3A_232 = arith.constant 40 : i32
    %dma_wait3A_233 = arith.constant 0 : i32
    %dma_wait3A_234 = arith.constant 0 : i32
    %dma_wait3A_235 = tpu.memref_slice %arg15[%dma_wait3A_233, %dma_wait3A_234] : memref<10240x64xf32, #tpu.memory_space<vmem_shared>> -> memref<128x64xf32, #tpu.memory_space<vmem_shared>>
    %dma_wait3A_236 = arith.constant 0 : i32
    %dma_wait3A_237 = arith.constant 0 : i32
    %dma_wait3A_238 = tpu.memref_slice %arg15[%dma_wait3A_236, %dma_wait3A_237] : memref<10240x64xf32, #tpu.memory_space<vmem_shared>> -> memref<128x64xf32, #tpu.memory_space<vmem_shared>>
    tpu.wait_dma2 semaphore(%arg20 : memref<!tpu.dma_semaphore, #tpu.memory_space<semaphore_mem>>) src(%arg11 : memref<128x64xf32, #tpu.memory_space<vmem>>) dst(%dma_wait3A_238 : memref<128x64xf32, #tpu.memory_space<vmem_shared>>)
    %barrier3A_239 = arith.constant 0 : index
    tpu.barrier barrier_id(%barrier3A_239)
    %mul3A_240 = arith.constant 640 : i32
    %mul3A_241 = arith.muli %arg1, %mul3A_240 : i32
    %mul3A_242 = arith.constant 640 : i32
    %mul3A_243 = arith.muli %arg1, %mul3A_242 : i32
    "tpu.region"() ({
      %run_scoped3A = tpu.sem_alloc : memref<!tpu.dma_semaphore, #tpu.memory_space<semaphore_mem>>
      %dma_start3A_244 = arith.constant 64 : i32
      %dma_start3A_245 = tpu.memref_slice %arg5[%arg0, %mul3A_243, %dma_start3A_244] : memref<2x10240x128xf32, #tpu.memory_space<hbm>> -> memref<1x640x64xf32, #tpu.memory_space<hbm>>
      %dma_start3A_246 = tpu.memref_squeeze %dma_start3A_245 : memref<1x640x64xf32, #tpu.memory_space<hbm>> -> memref<640x64xf32, #tpu.memory_space<hbm>>
      %dma_start3A_247 = arith.constant 0 : i32
      %dma_start3A_248 = tpu.memref_slice %arg15[%mul3A_241, %dma_start3A_247] : memref<10240x64xf32, #tpu.memory_space<vmem_shared>> -> memref<640x64xf32, #tpu.memory_space<vmem_shared>>
      tpu.enqueue_dma source(%dma_start3A_248 : memref<640x64xf32, #tpu.memory_space<vmem_shared>>) target(%dma_start3A_246 : memref<640x64xf32, #tpu.memory_space<hbm>>) target_semaphore(%run_scoped3A : memref<!tpu.dma_semaphore, #tpu.memory_space<semaphore_mem>>)
      %dma_wait3A_249 = arith.constant 64 : i32
      %dma_wait3A_250 = tpu.memref_slice %arg5[%arg0, %mul3A_243, %dma_wait3A_249] : memref<2x10240x128xf32, #tpu.memory_space<hbm>> -> memref<1x640x64xf32, #tpu.memory_space<hbm>>
      %dma_wait3A_251 = tpu.memref_squeeze %dma_wait3A_250 : memref<1x640x64xf32, #tpu.memory_space<hbm>> -> memref<640x64xf32, #tpu.memory_space<hbm>>
      %dma_wait3A_252 = arith.constant 0 : i32
      %dma_wait3A_253 = tpu.memref_slice %arg15[%mul3A_241, %dma_wait3A_252] : memref<10240x64xf32, #tpu.memory_space<vmem_shared>> -> memref<640x64xf32, #tpu.memory_space<vmem_shared>>
      tpu.wait_dma2 semaphore(%run_scoped3A : memref<!tpu.dma_semaphore, #tpu.memory_space<semaphore_mem>>) src(%dma_wait3A_253 : memref<640x64xf32, #tpu.memory_space<vmem_shared>>) dst(%dma_wait3A_251 : memref<640x64xf32, #tpu.memory_space<hbm>>)
      tpu.yield
    }) : () -> ()
    return
  }
}

module attributes {stable_mosaic.version = 14 : i64} {
  func.func @body(%arg0: i32, %arg1: memref<2000x256xf32, #tpu.memory_space<vmem>>, %arg2: memref<1x2000x128xf32, #tpu.memory_space<vmem>>, %arg3: memref<1x2000x128xf32, #tpu.memory_space<vmem>>, %arg4: memref<2000x16xf32, #tpu.memory_space<vmem>>, %arg5: memref<256x512xf32, #tpu.memory_space<vmem>>, %arg6: memref<1x256xf32, #tpu.memory_space<vmem>>, %arg7: memref<2000x256xf32, #tpu.memory_space<vmem>>) attributes {dimension_semantics = [#tpu.dimension_semantics<arbitrary>], iteration_bounds = array<i64: 5>, scalar_prefetch = 0 : i64, scratch_operands = 0 : i64, tpu.core_type = #tpu.core_type<tc>, window_params = [{transform_indices = @transform_0, window_bounds = array<i64: 2000, 256>}, {transform_indices = @transform_1, window_bounds = array<i64: 1, 2000, 128>}, {transform_indices = @transform_2, window_bounds = array<i64: 1, 2000, 128>}, {transform_indices = @transform_3, window_bounds = array<i64: 2000, 16>}, {pipeline_mode = #tpu.pipeline_mode<synchronous>, transform_indices = @transform_4, window_bounds = array<i64: 256, 512>}, {pipeline_mode = #tpu.pipeline_mode<synchronous>, transform_indices = @transform_5, window_bounds = array<i64: 1, 256>}, {transform_indices = @transform_6, window_bounds = array<i64: 2000, 256>}]} {
    %get3A = arith.constant 0 : index
    %get3A_0 = arith.constant 0 : index
    %get3A_1 = vector.load %arg4[%get3A, %get3A_0] : memref<2000x16xf32, #tpu.memory_space<vmem>>, vector<2000x1xf32>
    %max3A = arith.constant 1.000000e+00 : f32
    %max3A_2 = vector.broadcast %max3A : f32 to vector<2000x1xf32>
    %max3A_3 = arith.maximumf %get3A_1, %max3A_2 : vector<2000x1xf32>
    %get3A_4 = arith.constant 0 : index
    %get3A_5 = arith.constant 0 : index
    %get3A_6 = arith.constant 0 : index
    %get3A_7 = vector.load %arg2[%get3A_4, %get3A_5, %get3A_6] : memref<1x2000x128xf32, #tpu.memory_space<vmem>>, vector<1x2000x128xf32>
    %get3A_8 = vector.shape_cast %get3A_7 : vector<1x2000x128xf32> to vector<2000x128xf32>
    %get3A_9 = arith.constant 0 : index
    %get3A_10 = arith.constant 0 : index
    %get3A_11 = arith.constant 0 : index
    %get3A_12 = vector.load %arg3[%get3A_9, %get3A_10, %get3A_11] : memref<1x2000x128xf32, #tpu.memory_space<vmem>>, vector<1x2000x128xf32>
    %get3A_13 = vector.shape_cast %get3A_12 : vector<1x2000x128xf32> to vector<2000x128xf32>
    %concatenate3A = tpu.concatenate %get3A_8, %get3A_13 in 1 : vector<2000x128xf32>, vector<2000x128xf32> -> vector<2000x256xf32>
    %div3A = vector.broadcast %max3A_3 : vector<2000x1xf32> to vector<2000x256xf32>
    %div3A_14 = arith.divf %concatenate3A, %div3A : vector<2000x256xf32>
    %get3A_15 = arith.constant 0 : index
    %get3A_16 = arith.constant 0 : index
    %get3A_17 = vector.load %arg5[%get3A_15, %get3A_16] : memref<256x512xf32, #tpu.memory_space<vmem>>, vector<256x512xf32>
    %get3A_18 = arith.constant 0 : index
    %get3A_19 = arith.constant 0 : index
    %get3A_20 = vector.load %arg1[%get3A_18, %get3A_19] : memref<2000x256xf32, #tpu.memory_space<vmem>>, vector<2000x256xf32>
    %slice3A = vector.extract_strided_slice %get3A_17 {offsets = [0, 0], sizes = [256, 256], strides = [1, 1]} : vector<256x512xf32> to vector<256x256xf32>
    %dot_general3A = arith.constant dense<0.000000e+00> : vector<2000x256xf32>
    %dot_general3A_21 = tpu.matmul %get3A_20, %slice3A, %dot_general3A {dimension_numbers = #tpu.dot_dimension_numbers<[1], [1], [0], [0], [0, 0, 1, 0], [], []>, transpose_lhs_hint = false} : vector<2000x256xf32>, vector<256x256xf32>, vector<2000x256xf32> -> vector<2000x256xf32>
    %slice3A_22 = vector.extract_strided_slice %get3A_17 {offsets = [0, 256], sizes = [256, 256], strides = [1, 1]} : vector<256x512xf32> to vector<256x256xf32>
    %dot_general3A_23 = arith.constant dense<0.000000e+00> : vector<2000x256xf32>
    %dot_general3A_24 = tpu.matmul %div3A_14, %slice3A_22, %dot_general3A_23 {dimension_numbers = #tpu.dot_dimension_numbers<[1], [1], [0], [0], [0, 0, 1, 0], [], []>, transpose_lhs_hint = false} : vector<2000x256xf32>, vector<256x256xf32>, vector<2000x256xf32> -> vector<2000x256xf32>
    %add3A = arith.addf %dot_general3A_21, %dot_general3A_24 : vector<2000x256xf32>
    %get3A_25 = arith.constant 0 : index
    %get3A_26 = arith.constant 0 : index
    %get3A_27 = vector.load %arg6[%get3A_25, %get3A_26] : memref<1x256xf32, #tpu.memory_space<vmem>>, vector<1x256xf32>
    %add3A_28 = vector.broadcast %get3A_27 : vector<1x256xf32> to vector<2000x256xf32>
    %add3A_29 = arith.addf %add3A, %add3A_28 : vector<2000x256xf32>
    %swap3A = arith.constant 0 : index
    %swap3A_30 = arith.constant 0 : index
    %swap3A_31 = vector.load %arg7[%swap3A, %swap3A_30] : memref<2000x256xf32, #tpu.memory_space<vmem>>, vector<2000x256xf32>
    tpu.vector_store %arg7[%swap3A, %swap3A_30], %add3A_29 {strides = array<i32>} : memref<2000x256xf32, #tpu.memory_space<vmem>>, vector<2000x256xf32>,
    return
  }
  func.func @transform_0(%arg0: i32) -> (i32, i32) {
    %c0_i32 = arith.constant 0 : i32
    %c0_i32_0 = arith.constant 0 : i32
    return %arg0, %c0_i32 : i32, i32
  }
  func.func @transform_1(%arg0: i32) -> (i32, i32, i32) {
    %c0_i32 = arith.constant 0 : i32
    %c0_i32_0 = arith.constant 0 : i32
    %c0_i32_1 = arith.constant 0 : i32
    return %c0_i32, %arg0, %c0_i32_0 : i32, i32, i32
  }
  func.func @transform_2(%arg0: i32) -> (i32, i32, i32) {
    %c1_i32 = arith.constant 1 : i32
    %c0_i32 = arith.constant 0 : i32
    %c0_i32_0 = arith.constant 0 : i32
    return %c1_i32, %arg0, %c0_i32 : i32, i32, i32
  }
  func.func @transform_3(%arg0: i32) -> (i32, i32) {
    %c0_i32 = arith.constant 0 : i32
    %c0_i32_0 = arith.constant 0 : i32
    return %arg0, %c0_i32 : i32, i32
  }
  func.func @transform_4(%arg0: i32) -> (i32, i32) {
    %c0_i32 = arith.constant 0 : i32
    %c0_i32_0 = arith.constant 0 : i32
    %c0_i32_1 = arith.constant 0 : i32
    return %c0_i32, %c0_i32_0 : i32, i32
  }
  func.func @transform_5(%arg0: i32) -> (i32, i32) {
    %c0_i32 = arith.constant 0 : i32
    %c0_i32_0 = arith.constant 0 : i32
    %c0_i32_1 = arith.constant 0 : i32
    return %c0_i32, %c0_i32_0 : i32, i32
  }
  func.func @transform_6(%arg0: i32) -> (i32, i32) {
    %c0_i32 = arith.constant 0 : i32
    %c0_i32_0 = arith.constant 0 : i32
    return %arg0, %c0_i32 : i32, i32
  }
}

</mosaic_0001>

<sc_bundles>
// kernel: kernel.4.cloned.1.call-start
scs
__scs_entry_jumppad:
0x0: {  	(pc) =	sbr.rel $0x88, $3  }
0x1: {  	(tag) =	ssettag $0x0;
	lr =	simm.s32 $0x1  }
0x2: {  	[smem:$0x3F9D] =	sst lr;
	_ =	strace $0xD0000000  }
0x3: {  	_ = 	snop  }
0x4: {  	_ = 	snop  }
0x5: {  	_ = 	snop  }
0x6: {  	_ = 	snop  }
0x7: {  	_ = 	snop  }
__scs_overlays_trampoline_lowered:
0x8: {  	[smem:$0x3FAC] =	sst s0  }
0x9: {  	[smem:$0x3FAD] =	sst s1  }
0xa: {  	[smem:$0x3FAE] =	sst s2  }
0xb: {  	[smem:$0x3FAF] =	sst s3  }
0xc: {  	[smem:$0x3FB0] =	sst s4  }
0xd: {  	[smem:$0x3FB1] =	sst s5  }
0xe: {  	[smem:$0x3FB2] =	sst s6  }
0xf: {  	[smem:$0x3FB3] =	sst s7  }
0x10: {  	[smem:$0x3FB4] =	sst s8  }
0x11: {  	[smem:$0x3FB5] =	sst s9;
	s0 =	simm.s32 @!p0 $0x0  }
0x12: {  	s1 =	sld [smem:$0x3F9B];
	s0 =	simm.s32 @p0 $0x1  }
0x13: {  	[smem:$0x3FB6] =	sst s0;
	s0 =	simm.s32 @!p1 $0x0  }
0x14: {  	s2 =	sld [smem:$0x3F9A];
	s0 =	simm.s32 @p1 $0x1  }
0x15: {  	[smem:$0x3FB7] =	sst s0;
	s0 =	simm.s32 @!p2 $0x0  }
0x16: {  	s3 =	sld [smem:$0x3FDB];
	s0 =	simm.s32 @p2 $0x1  }
0x17: {  	s4 =	simm.s32 $0x1BF5;
	[smem:$0x3FB9] =	sst s0  }
0x18: {  	s0 =	sld [smem:$0x3F9C];
	_ =	swait.ge [sflag:s4], $0x0  }
0x19: {  	s7 =	sld [smem:$0x3F9D]  }
0x1a: {  	s8 =	sadd.s32 $0xFFFFE003, lr  }
0x1b: {  	s9 =	sadd.s32 $0xFFFFFEF7, lr;
	s5 =	simm.s32 $0xFFFFFFFF;
	p2 =	slt.u32 s8, $0xFFFFF086  }
0x1c: {  	p1 =	slt.u32 s9, $0xF7A;
	s5 =	simm.s32 @!p2 $0x0  }
0x1d: {  	s5 =	simm.s32 @p1 $0x1;
	p0 =	seq.s32 s7, s2  }
0x1e: {  	s7 =	smul.u32 @!p0 $0xF7A, s2;
	p2 =	seq.s32 @!p0 s5, $0x0  }
0x1f: {  	s9 =	smul.u32 $0xF7A, s1;
	s8 =	simm.s32 @!p0 $0x1BF5;
	p2 =	por !p2, p0  }
0x20: {  	[sflag:s8] =	ssyncset.s32 @!p0 $0xFFFFF086;
	s6 =	sadd.s32 @!p0 s3, s7;
	s7 =	simm.s32 @!p0 $0x108  }
0x21: {  	s3 =	sadd.s32 s3, s9;
	s6 =	sadd.s32 @!p0 $0x88, s6;
	s7 =	simm.s32 @p2 $0x1082  }
0x22: {  	[simem:s7], [sflag:s8] =	dma.local @!p0 [hbm:s6], $0xF7A  }
0x23: {  	s9 =	sor.u32 $0xD0000000, s2;
	s6 =	simm.s32 $0x108;
	_ =	swait.ge @!p0 [sflag:s8], $0x0  }
0x24: {  	s3 =	sadd.s32 $0x88, s3;
	s6 =	simm.s32 @!p1 $0x1082;
	[sflag:s4] =	ssyncset.s32 $0xFFFFF086  }
0x25: {  	[simem:s6], [sflag:s4] =	dma.local [hbm:s3], $0xF7A  }
0x26: {  	[smem:$0x3F9D] =	sst s1;
	(tag) =	ssettag s2;
	_ =	strace s9  }
0x27: {  	s1 =	sld [smem:$0x3FAD]  }
0x28: {  	s2 =	sld [smem:$0x3FAE]  }
0x29: {  	s4 =	sld [smem:$0x3FB0]  }
0x2a: {  	p0 =	seq.s32 s5, $0x0;
	s5 =	sld [smem:$0x3FB1]  }
0x2b: {  	s6 =	sld [smem:$0x3FB2]  }
0x2c: {  	s7 =	sld [smem:$0x3FB3]  }
0x2d: {  	s3 =	simm.s32 $0x108;
	s8 =	sld [smem:$0x3FB4]  }
0x2e: {  	s3 =	simm.s32 @!p0 $0x1082;
	s9 =	sld [smem:$0x3FB5]  }
0x2f: {  	lr =	sadd.s32 s0, s3;
	s0 =	sld [smem:$0x3FAC]  }
0x30: {  	s3 =	sld [smem:$0x3FAF]  }
0x31: {  	[smem:$0x3FB8] =	sst s10  }
0x32: {  	s10 =	sld [smem:$0x3FB6];
	_ =	sdelay $0x3  }
0x33: {  	p0 =	seq.s32 s10, $0x1;
	s10 =	sld [smem:$0x3FB8];
	_ =	sdelay $0x3  }
0x34: {  	[smem:$0x3FB8] =	sst s10  }
0x35: {  	s10 =	sld [smem:$0x3FB7];
	_ =	sdelay $0x3  }
0x36: {  	p1 =	seq.s32 s10, $0x1;
	s10 =	sld [smem:$0x3FB8];
	_ =	sdelay $0x3  }
0x37: {  	[smem:$0x3FB8] =	sst s10  }
0x38: {  	s10 =	sld [smem:$0x3FB9]  }
0x39: {  	_ = 	snop;
	(pc) =	sbr.ind lr, $3  }
0x3a: {  	_ = 	snop  }
0x3b: {  	_ = 	snop  }
0x3c: {  	p2 =	seq.s32 s10, $0x1;
	s10 =	sld [smem:$0x3FB8]  }
0x3d: {  	_ =	shalt  }
0x3e: {  	_ =	shalt  }
0x3f: {  	_ =	shalt  }
0x40: {  	_ =	shalt  }
0x41: {  	_ =	shalt  }
0x42: {  	_ =	shalt  }
0x43: {  	_ =	shalt  }
0x44: {  	_ =	shalt  }
0x45: {  	_ =	shalt  }
0x46: {  	_ =	shalt  }
0x47: {  	_ =	shalt  }
0x48: {  	_ =	shalt  }
0x49: {  	_ =	shalt  }
0x4a: {  	_ =	shalt  }
0x4b: {  	_ =	shalt  }
0x4c: {  	_ =	shalt  }
0x4d: {  	_ =	shalt  }
0x4e: {  	_ =	shalt  }
0x4f: {  	_ =	shalt  }
0x50: {  	_ =	shalt  }
0x51: {  	_ =	shalt  }
0x52: {  	_ =	shalt  }
0x53: {  	_ =	shalt  }
0x54: {  	_ =	shalt  }
0x55: {  	_ =	shalt  }
0x56: {  	_ =	shalt  }
0x57: {  	_ =	shalt  }
0x58: {  	_ =	shalt  }
0x59: {  	_ =	shalt  }
0x5a: {  	_ =	shalt  }
0x5b: {  	_ =	shalt  }
0x5c: {  	_ =	shalt  }
0x5d: {  	_ =	shalt  }
0x5e: {  	_ =	shalt  }
0x5f: {  	_ =	shalt  }
0x60: {  	_ =	shalt  }
0x61: {  	_ =	shalt  }
0x62: {  	_ =	shalt  }
0x63: {  	_ =	shalt  }
0x64: {  	_ =	shalt  }
0x65: {  	_ =	shalt  }
0x66: {  	_ =	shalt  }
0x67: {  	_ =	shalt  }
0x68: {  	_ =	shalt  }
0x69: {  	_ =	shalt  }
0x6a: {  	_ =	shalt  }
0x6b: {  	_ =	shalt  }
0x6c: {  	_ =	shalt  }
0x6d: {  	_ =	shalt  }
0x6e: {  	_ =	shalt  }
0x6f: {  	_ =	shalt  }
0x70: {  	_ =	shalt  }
0x71: {  	_ =	shalt  }
0x72: {  	_ =	shalt  }
0x73: {  	_ =	shalt  }
0x74: {  	_ =	shalt  }
0x75: {  	_ =	shalt  }
0x76: {  	_ =	shalt  }
0x77: {  	_ =	shalt  }
0x78: {  	_ =	shalt  }
0x79: {  	_ =	shalt  }
0x7a: {  	_ =	shalt  }
0x7b: {  	_ =	shalt  }
0x7c: {  	_ =	shalt  }
0x7d: {  	_ =	shalt  }
0x7e: {  	_ =	shalt  }
0x7f: {  	_ =	shalt  }
0x80: {  	_ =	shalt  }
0x81: {  	_ =	shalt  }
0x82: {  	_ =	shalt  }
0x83: {  	_ =	shalt  }
0x84: {  	_ =	shalt  }
0x85: {  	_ =	shalt  }
0x86: {  	_ =	shalt  }
0x87: {  	_ =	shalt  }
.Lfunc_end0:
.L_simem_size_0:
called_computation_lowered:
.L_overlay_start_0:
0x88: {  	s2 =	sld [smem:$0x3FD9]  }
0x89: {  	s3 =	sld [smem:$0x3FFE];
	_ =	sdelay $0x1  }
0x8a: {  	s1 =	srdreg.scid  }
0x8b: {  	s0 =	sand.u32 $0x1, s1  }
0x8c: {  	s17 =	sshll.u32 s0, $0xA;
	s2 =	sadd.s32 s3, s2  }
0x8d: {  	s2 =	sadd.s32 s2, s17  }
0x8e: {  	[smem:$0x3FC4] =	sst s2  }
0x8f: {  	_ = 	snop  }
0x90: {  	s2 =	sld [smem:$0x3FD0];
	(tm) =	ssettm $0x1  }
0x91: {  	s18 =	sld [smem:$0x3FFB];
	_ =	sdelay $0x3  }
0x92: {  	_ =	strace s18  }
0x93: {  	s3 =	sld [smem:$0x3FFC];
	_ =	sdelay $0x3  }
0x94: {  	_ =	strace s3  }
0x95: {  	s3 =	sld [smem:$0x3FFD];
	_ =	sdelay $0x3  }
0x96: {  	_ =	strace s3  }
0x97: {  	_ =	strace $0x8FFFFFFF  }
0x98: {  	s19 =	sld [smem:$0x3FDB];
	_ =	sdelay $0x1  }
0x99: {  	s4 =	simm.s32 $_scs_section_size  }
0x9a: {  	s5 =	simm.s32 $_size__tile_overlayer_lowered;
	s6 =	simm.s32 $_tile_overlayer_lowered  }
0x9b: {  	s22 =	simm.s32 $0x1BFF;
	s21 =	sshll.u32 s6, $0x1;
	s3 =	sadd.s32 s4, s19  }
0x9c: {  	s7 =	simm.s32 $0x0;
	s20 =	sshll.u32 s5, $0x1;
	s5 =	sadd.s32 s21, s3  }
0x9d: {  	[timem:s7], [sflag:s22] =	dma.local [hbm:s5], s20  }
0x9e: {  	_ =	swait.ge [sflag:s22], s20  }
0x9f: {  	s4 =	ssub.s32 $0x0, s20;
	[sflag:s22] =	ssyncset.done $0x0  }
0xa0: {  	[sflag:s22] =	ssyncadd.s32 s4;
	_ =	sdelay $0x1  }
0xa1: {  	s23 =	simm.s32 $0x1B8B  }
0xa2: {  	_ =	swait.ge [sflag:s23], $0x1  }
0xa3: {  	[sflag:s23] =	ssyncset.done $0x0  }
0xa4: {  	s25 =	simm.s32 $0x1B8E;
	s24 =	sld [smem:$0x3FFE];
	[sflag:s23] =	ssyncadd.s32 $0xFFFFFFFF  }
0xa5: {  	s26 =	simm.s32 $execute0_lowered;
	[smem:$0x3FD2] =	sst s25  }
0xa6: {  	s5 =	sshll.u32 s26, $0x1;
	_ =	strace $0x80000046;
	[dreg:$0x1] =	wrdreg $0xFFFFFFFF  }
0xa7: {  	s28 =	simm.s32 $_size_execute0_lowered;
	s3 =	sadd.s32 s3, s5;
	[dreg:$0x0] =	wrdreg $0x0  }
0xa8: {  	s5 =	sshll.u32 s28, $0x1;
	[dreg:$0x2] =	wrdreg s3  }
0xa9: {  	[dreg:$0x3] =	wrdreg s5  }
0xaa: {  	[dreg:$0x4] =	wrdreg $0xC0  }
0xab: {  	_ =	task [dreg:s7], $0x5FFFF  }
0xac: {  	[dreg:$0x1] =	wrdreg $0xFFFFFFFF  }
0xad: {  	[dreg:$0x0] =	wrdreg $0x60  }
0xae: {  	[dreg:$0x2] =	wrdreg s2  }
0xaf: {  	[dreg:$0x3] =	wrdreg s24  }
0xb0: {  	[dreg:$0x4] =	wrdreg $0xF2000  }
0xb1: {  	[dreg:$0x5] =	wrdreg $0x192000  }
0xb2: {  	[dreg:$0x6] =	wrdreg $0x9  }
0xb3: {  	_ =	task.clear_ibuf [dreg:s7], $0x7FFFF;
	_ =	strace $0x90000046  }
0xb4: {  	s29 =	simm.s32 $0x9;
	_ =	strace $0x80000048  }
0xb5: {  	_ =	swait.ge [sflag:s29], $0x1  }
0xb6: {  	[sflag:s29] =	ssyncadd.s32 $0xFFFFFFFF  }
0xb7: {  	_ =	strace $0x90000048  }
0xb8: {  	_ =	sfence  }
0xb9: {  	s30 =	sld [smem:$0x0];
	_ =	sdelay $0x2  }
0xba: {  	s31 =	sshll.u32 s1, $0xD;
	s1 =	sshrl.u32 s1, $0x2  }
0xbb: {  	s3 =	sand.u32 $0x4000, s31;
	s1 =	sadd.s32 s1, s30  }
0xbc: {  	s0 =	sor.u32 s3, s0;
	s1 =	sshll.u32 s1, $0x11  }
0xbd: {  	s0 =	sor.u32 s1, s0  }
0xbe: {  	s0 =	sadd.s32 $0x8F2B, s0  }
0xbf: {  	[sflag:s0] =	ssyncadd.remote.s32 $0x1  }
0xc0: {  	_ =	sfence.sel $0xFFFF  }
0xc1: {  	[dreg:$0x0] =	wrdreg $0xFFFFFFFF;
	(pc) =	sbr.abs _section_cstart, $3  }
0xc2: {  	[dreg:$0x1] =	wrdreg $0xFFFFFFFF  }
0xc3: {  	_ =	task.clear_ibuf [dreg:s7], $0x2FFFF;
	_ =	strace $0x9FFFFFFF  }
0xc4: {  	(tm) =	ssettm $0x7FFFFFFF  }
0xc5: {  	_ =	shalt  }
tec
execute0_lowered:
.L_overlay_start_1:
0x0: {  	(tag) =	ssettag $0x1  }
0x1: {  	s0 =	srdreg.scid  }
0x2: {  	s15 =	stileid.u32;
	s1 =	rddreg [dreg:$0x0]  }
0x3: {  	s6 =	rddreg [dreg:$0x1];
	s2 =	smul.u32 $0x2800, s15  }
0x4: {  	s3 =	rddreg [dreg:$0x2];
	s9 =	smul.u32 $0x14000, s15  }
0x5: {  	s4 =	rddreg [dreg:$0x3];
	s11 =	smul.u32 $0x280, s15  }
0x6: {  	s5 =	simm.s32 $0x0;
	s28 =	simm.s32 $0x3;
	s12 =	smul.u32 $0x28000, s15  }
0x7: {  	s29 =	simm.s32 $0x80;
	s0 =	sand.u32 $0x1, s0;
	s20 =	smul.u32 $0xA000, s15  }
0x8: {  	s31 =	simm.s32 $0x7800;
	[smem:$0x7FF] =	sst s5;
	s7 =	smul.u32 $0x50000, s0  }
0x9: {  	s30 =	simm.s32 $0x9800;
	s8 =	smul.u32 $0x140000, s0;
	_ =	strace $0x80000047  }
0xa: {  	s10 =	ssub.s32 $0x2, s0;
	p0 =	sne.s32 s0, $0x0;
	s0 =	simm.s32 $0x1  }
0xb: {  	s13 =	sshrl.u32 s2, $0x3;
	s14 =	sshrl.u32 s10, $0x1;
	s18 =	sshrl.u32 s12, $0x2  }
0xc: {  	s21 =	sadd.s32 $0x140, s11;
	s22 =	sadd.s32 $0x1E0, s11;
	s7 =	sadd.s32 s2, s7  }
0xd: {  	s8 =	sadd.s32 s9, s8;
	s9 =	sadd.s32 s18, s3;
	s23 =	sshll.u32 s21, $0x6  }
0xe: {  	s15 =	sshll.u32 s22, $0x4;
	s2 =	sadd.s32 s2, s4;
	s7 =	sshrl.u32 s7, $0x3  }
0xf: {  	s8 =	sshrl.u32 s8, $0x3;
	s25 =	sadd.s32 s15, s4;
	s7 =	sadd.s32 s7, s6  }
0x10: {  	s8 =	sadd.s32 s8, s6;
	s6 =	sadd.s32 s13, s6;
	s13 =	ssub.s32 s10, s14  }
0x11: {  	s14 =	sadd.s32 $0xA0, s11;
	s11 =	sadd.s32 s23, s3;
	[dreg:$0xb] =	wrdreg s25  }
0x12: {  	s23 =	simm.s32 $0x6;
	s25 =	sshrl.u32 @!p0 s2, $0x3;
	s2 =	simm.s32 $0x5080  }
0x13: {  	s16 =	sadd.s32 $0x1000, s7;
	s7 =	sadd.s32 $0x6000, s7;
	s17 =	sadd.s32 $0x15000, s6  }
0x14: {  	s19 =	sshll.u32 s14, $0x6;
	s14 =	sshll.u32 s14, $0x4;
	[dreg:$0x5] =	wrdreg s16  }
0x15: {  	s26 =	sadd.s32 $0x1F000, s8;
	s6 =	sadd.s32 $0x1A000, s6;
	[dreg:$0x6] =	wrdreg s7  }
0x16: {  	[dreg:$0x7] =	wrdreg s17;
	s10 =	sadd.s32 s19, s3;
	s16 =	sshll.u32 s22, $0x6  }
0x17: {  	s17 =	sshrl.u32 s20, $0x2;
	s7 =	sshll.u32 s21, $0x4;
	[dreg:$0xc] =	wrdreg s26  }
0x18: {  	s14 =	sadd.s32 s14, s4;
	[dreg:$0xd] =	wrdreg s6;
	s19 =	sadd.s32 $0x1F008, s8  }
.Ltmp0:
0x19: {  	s20 =	smax.u32 s13, $0x1;
	s26 =	simm.s32 $0x2;
	(pc) =	sbr.rel .LBB2_1-.Ltmp0, $4  }
0x1a: {  	s6 =	simm.s32 $0x4;
	s8 =	simm.s32 $0x8;
	s13 =	simm.s32 $0x7  }
0x1b: {  	s12 =	sadd.s32 s16, s3;
	s24 =	sadd.s32 s17, s4;
	[dreg:$0x9] =	wrdreg s14  }
0x1c: {  	s7 =	sadd.s32 s7, s4;
	s14 =	simm.s32 $0x0;
	[dreg:$0x8] =	wrdreg s24  }
0x1d: {  	v0 =	vimm.f32 $0.0e+00;
	v1 =	vimm.f32 $1.000000000e+00;
	[dreg:$0xa] =	wrdreg s7;
	s24 =	simm.s32 $0xB800;
	s7 =	simm.s32 $0x10  }
.LBB2_10:
0x1e: {  	[spmem:s3] =	stream.indirect.scatter.add.f32 [tilespmem:s30], [sflag:$0x4], $0x40, s17, s29, $0xb8;
	[tilespmem:$0x1BA00] =	vst v63  }
0x1f: {  	_ =	swait.ge [sflag:s6], $0x2000  }
0x20: {  	s14 =	sadd.s32 $0x1, s14;
	[sflag:s6] =	ssyncset.done $0x0  }
0x21: {  	p1 =	sne.s32 s14, s20;
	[sflag:s6] =	ssyncadd.s32 $0xFFFFE000  }
.Ltmp1:
0x22: {  	[bflag:$0x0] =	sbarrier.arrive $0xFFFF;
	(pc) =	sbr.rel @!p1 .LBB2_11-.Ltmp1, $4  }
0x23: {  	[hbm:s19@s7], [sflag:s15] =	dma.strided [spmem:s16@s8], $0x1400, s0, $0x8   }
0x24: {  	_ =	swait.ge [sflag:s13], $0x1400  }
0x25: {  	[sflag:s13] =	ssyncset.done $0x0  }
0x26: {  	[sflag:s13] =	ssyncadd.s32 $0xFFFFEC00  }
.LBB2_1:
0x27: {  	s15 =	rddreg [dreg:$0x5]  }
0x28: {  	s18 =	rddreg [dreg:$0x6]  }
0x29: {  	[tilespmem:s5], [sflag:$0x6] =	stream.linear.gather [hbm4b:s15+s5], $0x2800, $0x38;
	[tilespmem:$0x1BA00] =	vst v63  }
0x2a: {  	s16 =	simm.s32 $0x2800;
	s21 =	rddreg [dreg:$0x7]  }
0x2b: {  	[tilespmem:s16], [sflag:$0x6] =	stream.linear.gather [hbm4b:s18+s5], $0x2800, $0x38;
	[tilespmem:$0x1BA00] =	vst v63  }
0x2c: {  	s22 =	simm.s32 $0x5000;
	s15 =	simm.s32 $0xB820;
	s16 =	simm.s32 $0x0  }
0x2d: {  	[tilespmem:s22], [sflag:$0x6] =	stream.linear.gather [hbm4b:s21+s5], $0x2800, $0x38;
	[tilespmem:$0x1BA00] =	vst v63  }
.LBB2_2:
0x2e: {  	p1 =	sne.s32 s16, $0x27C0  }
.Ltmp2:
0x2f: {  	[tilespmem:s15+$0xFFFFFFE0] =	vst v0;
	(pc) =	sbr.rel @p1 .LBB2_2-.Ltmp2, $4  }
0x30: {  	[tilespmem:s15+$0xFFFFFFF0] =	vst v0  }
0x31: {  	[tilespmem:s15+$0x0] =	vst v0  }
0x32: {  	[tilespmem:s15+$0x10] =	vst v0;
	s17 =	sshra.s32 s16, $0x2  }
0x33: {  	s15 =	sadd.s32 $0x40, s15;
	s16 =	sadd.s32 $0x40, s16;
	[tilespmem:s17+$0xE000] =	vst v0  }
0x34: {  	s15 =	simm.s32 $0x40;
	s16 =	simm.s32 $0x0  }
.LBB2_4:
0x35: {  	p1 =	sne.s32 s15, $0x1FC0;
	[tilespmem:s16+$0xEA00] =	vst v1;
	s16 =	smov.u32 s15;
	s15 =	sadd.s32 $0x40, s15  }
.Ltmp3:
0x36: {  	(pc) =	sbr.rel @p1 .LBB2_4-.Ltmp3, $2  }
0x37: {  	_ =	sdelay $0x2  }
0x38: {  	s16 =	sshra.s32 s16, $0x2  }
0x39: {  	[tilespmem:s16+$0xEA00] =	vst v1  }
0x3a: {  	_ =	swait.ge [sflag:s23], $0x2800  }
0x3b: {  	[sflag:s23] =	ssyncset.done $0x0  }
0x3c: {  	[sflag:s23] =	ssyncadd.s32 $0xFFFFD800  }
0x3d: {  	_ =	swait.ge [sflag:s23], $0x2800  }
0x3e: {  	[sflag:s23] =	ssyncset.done $0x0  }
0x3f: {  	[sflag:s23] =	ssyncadd.s32 $0xFFFFD800  }
0x40: {  	_ =	swait.ge [sflag:s23], $0x2800  }
0x41: {  	[sflag:s23] =	ssyncset.done $0x0  }
0x42: {  	[sflag:s23] =	ssyncadd.s32 $0xFFFFD800  }
0x43: {  	[spmem:s9] =	stream.linear.scatter [tilespmem:s24], [sflag:$0x6], $0x2800, $0x38;
	[tilespmem:$0x1BA00] =	vst v63  }
0x44: {  	_ = 	snop  }
0x45: {  	[spmem:s10] =	stream.linear.scatter [tilespmem:s24], [sflag:$0x6], $0x2800, $0x38;
	[tilespmem:$0x1BA00] =	vst v63  }
0x46: {  	_ = 	snop  }
0x47: {  	[spmem:s11] =	stream.linear.scatter [tilespmem:s24], [sflag:$0x6], $0x2800, $0x38;
	[tilespmem:$0x1BA00] =	vst v63  }
0x48: {  	_ = 	snop  }
0x49: {  	[spmem:s12] =	stream.linear.scatter [tilespmem:s24], [sflag:$0x6], $0x2800, $0x38;
	[tilespmem:$0x1BA00] =	vst v63  }
0x4a: {  	_ =	swait.ge [sflag:s23], $0x2800  }
0x4b: {  	[sflag:s23] =	ssyncset.done $0x0  }
0x4c: {  	[sflag:s23] =	ssyncadd.s32 $0xFFFFD800  }
0x4d: {  	_ =	swait.ge [sflag:s23], $0x2800  }
0x4e: {  	[sflag:s23] =	ssyncset.done $0x0  }
0x4f: {  	[sflag:s23] =	ssyncadd.s32 $0xFFFFD800  }
0x50: {  	_ =	swait.ge [sflag:s23], $0x2800  }
0x51: {  	[sflag:s23] =	ssyncset.done $0x0  }
0x52: {  	[sflag:s23] =	ssyncadd.s32 $0xFFFFD800  }
0x53: {  	_ =	swait.ge [sflag:s23], $0x2800  }
0x54: {  	[sflag:s23] =	ssyncset.done $0x0  }
0x55: {  	s15 =	simm.s32 @p0 $0x80;
	[sflag:s23] =	ssyncadd.s32 $0xFFFFD800  }
0x56: {  	s16 =	simm.s32 @p0 $0x0;
	s17 =	simm.s32 @p0 $0x7800;
	[bflag:$0x0] =	sbarrier.arrive @p0 $0xFFFF  }
0x57: {  	[tilespmem:s17], [sflag:$0x1] =	stream.indirect.gather @p0 [hbm4b:s1+s15], $0x40, s16, s15, $0xb8;
	[tilespmem:$0x1BA00] =	vst v63  }
0x58: {  	s16 =	simm.s32 @p0 $0x1  }
0x59: {  	_ =	swait.ge @p0 [sflag:s16], $0x2000  }
0x5a: {  	[sflag:s16] =	ssyncset.done @p0 $0x0  }
0x5b: {  	[sflag:s16] =	ssyncadd.s32 @p0 $0xFFFFE000;
	s16 =	simm.s32 @p0 $0x9800  }
0x5c: {  	[tilespmem:s16], [sflag:$0x2] =	stream.indirect.gather @p0 [hbm4b:s1+s15], $0x40, s15, s15, $0xb8;
	[tilespmem:$0x1BA00] =	vst v63  }
0x5d: {  	s16 =	simm.s32 @p0 $0x5000  }
0x5e: {  	[spmem:s3] =	stream.indirect.scatter.add.f32 @p0 [tilespmem:s17], [sflag:$0x3], $0x40, s16, s15, $0xb8;
	[tilespmem:$0x1BA00] =	vst v63  }
0x5f: {  	s15 =	simm.s32 @!p0 $0xE000;
	s16 =	rddreg [dreg:$0x8]  }
0x60: {  	[spmem:s16] =	stream.linear.scatter @!p0 [tilespmem:s15], [sflag:$0x6], $0xA00, $0x38;
	[tilespmem:$0x1BA00] =	vst v63  }
0x61: {  	s16 =	rddreg [dreg:$0x9]  }
0x62: {  	[spmem:s16] =	stream.linear.scatter @!p0 [tilespmem:s15], [sflag:$0x6], $0xA00, $0x38;
	[tilespmem:$0x1BA00] =	vst v63  }
0x63: {  	s16 =	rddreg [dreg:$0xa]  }
0x64: {  	[spmem:s16] =	stream.linear.scatter @!p0 [tilespmem:s15], [sflag:$0x6], $0xA00, $0x38;
	[tilespmem:$0x1BA00] =	vst v63  }
0x65: {  	s16 =	rddreg [dreg:$0xb]  }
0x66: {  	[spmem:s16] =	stream.linear.scatter @!p0 [tilespmem:s15], [sflag:$0x6], $0xA00, $0x38;
	[tilespmem:$0x1BA00] =	vst v63  }
0x67: {  	s15 =	simm.s32 @!p0 $0x6  }
0x68: {  	_ =	swait.ge @!p0 [sflag:s15], $0xA00  }
0x69: {  	[sflag:s15] =	ssyncset.done @!p0 $0x0  }
0x6a: {  	[sflag:s15] =	ssyncadd.s32 @!p0 $0xFFFFF600  }
0x6b: {  	_ =	swait.ge @!p0 [sflag:s15], $0xA00  }
0x6c: {  	[sflag:s15] =	ssyncset.done @!p0 $0x0  }
0x6d: {  	[sflag:s15] =	ssyncadd.s32 @!p0 $0xFFFFF600  }
0x6e: {  	_ =	swait.ge @!p0 [sflag:s15], $0xA00  }
0x6f: {  	[sflag:s15] =	ssyncset.done @!p0 $0x0  }
0x70: {  	[sflag:s15] =	ssyncadd.s32 @!p0 $0xFFFFF600  }
0x71: {  	_ =	swait.ge @!p0 [sflag:s15], $0xA00  }
0x72: {  	[sflag:s15] =	ssyncset.done @!p0 $0x0  }
0x73: {  	s21 =	simm.s32 @!p0 $0x80;
	[sflag:s15] =	ssyncadd.s32 @!p0 $0xFFFFF600  }
0x74: {  	s16 =	simm.s32 @!p0 $0x7800;
	s15 =	simm.s32 @!p0 $0x0;
	[bflag:$0x0] =	sbarrier.arrive @!p0 $0xFFFF  }
0x75: {  	[tilespmem:s16], [sflag:$0x1] =	stream.indirect.gather @!p0 [hbm4b:s1+s21], $0x40, s15, s21, $0xb8;
	[tilespmem:$0x1BA00] =	vst v63  }
0x76: {  	s15 =	simm.s32 @!p0 $0x1  }
0x77: {  	_ =	swait.ge @!p0 [sflag:s15], $0x2000  }
0x78: {  	[sflag:s15] =	ssyncset.done @!p0 $0x0  }
0x79: {  	[sflag:s15] =	ssyncadd.s32 @!p0 $0xFFFFE000;
	s15 =	simm.s32 @!p0 $0x9800  }
0x7a: {  	[tilespmem:s15], [sflag:$0x2] =	stream.indirect.gather @!p0 [hbm4b:s1+s21], $0x40, s21, s21, $0xb8;
	[tilespmem:$0x1BA00] =	vst v63  }
0x7b: {  	s15 =	simm.s32 @!p0 $0x5000  }
0x7c: {  	[spmem:s3] =	stream.indirect.scatter.add.f32 @!p0 [tilespmem:s16], [sflag:$0x3], $0x40, s15, s21, $0xb8;
	[tilespmem:$0x1BA00] =	vst v63  }
0x7d: {  	s16 =	simm.s32 @!p0 $0xEA00  }
0x7e: {  	[spmem:s4] =	stream.indirect.scatter.add.f32 @!p0 [tilespmem:s16], [sflag:$0x5], $0x10, s15, s21, $0xb8;
	[tilespmem:$0x1BA00] =	vst v63  }
0x7f: {  	_ =	swait.ge [sflag:s26], $0x2000  }
0x80: {  	[sflag:s26] =	ssyncset.done $0x0  }
0x81: {  	[sflag:s26] =	ssyncadd.s32 $0xFFFFE000  }
0x82: {  	_ =	swait.ge [sflag:s28], $0x2000  }
0x83: {  	[sflag:s28] =	ssyncset.done $0x0  }
0x84: {  	s17 =	simm.s32 $0x100;
	[sflag:s28] =	ssyncadd.s32 $0xFFFFE000  }
0x85: {  	[tilespmem:s31], [sflag:$0x1] =	stream.indirect.gather [hbm4b:s1+s29], $0x40, s17, s29, $0xb8;
	[tilespmem:$0x1BA00] =	vst v63  }
0x86: {  	_ = 	snop  }
0x87: {  	[spmem:s3] =	stream.indirect.scatter.add.f32 [tilespmem:s30], [sflag:$0x4], $0x40, s2, s29, $0xb8;
	[tilespmem:$0x1BA00] =	vst v63  }
0x88: {  	s15 =	simm.s32 @!p0 $0x5080  }
0x89: {  	[spmem:s4] =	stream.indirect.scatter.add.f32 @!p0 [tilespmem:s16], [sflag:$0x5], $0x10, s15, s21, $0xb8;
	[tilespmem:$0x1BA00] =	vst v63  }
0x8a: {  	_ =	swait.ge [sflag:s0], $0x2000  }
0x8b: {  	[sflag:s0] =	ssyncset.done $0x0  }
0x8c: {  	[sflag:s0] =	ssyncadd.s32 $0xFFFFE000  }
0x8d: {  	_ =	swait.ge [sflag:s6], $0x2000  }
0x8e: {  	[sflag:s6] =	ssyncset.done $0x0  }
0x8f: {  	s15 =	simm.s32 @!p0 $0x5;
	[sflag:s6] =	ssyncadd.s32 $0xFFFFE000  }
0x90: {  	_ =	swait.ge @!p0 [sflag:s15], $0x800  }
0x91: {  	[sflag:s15] =	ssyncset.done @!p0 $0x0  }
0x92: {  	[sflag:s15] =	ssyncadd.s32 @!p0 $0xFFFFF800  }
0x93: {  	_ =	swait.ge @!p0 [sflag:s15], $0x800  }
0x94: {  	[sflag:s15] =	ssyncset.done @!p0 $0x0  }
0x95: {  	s18 =	simm.s32 $0x180;
	[sflag:s15] =	ssyncadd.s32 @!p0 $0xFFFFF800  }
0x96: {  	[tilespmem:s30], [sflag:$0x2] =	stream.indirect.gather [hbm4b:s1+s29], $0x40, s18, s29, $0xb8;
	[tilespmem:$0x1BA00] =	vst v63  }
0x97: {  	s17 =	simm.s32 $0x5100  }
0x98: {  	[spmem:s3] =	stream.indirect.scatter.add.f32 [tilespmem:s31], [sflag:$0x3], $0x40, s17, s29, $0xb8;
	[tilespmem:$0x1BA00] =	vst v63  }
0x99: {  	_ = 	snop  }
0x9a: {  	[spmem:s4] =	stream.indirect.scatter.add.f32 @!p0 [tilespmem:s16], [sflag:$0x5], $0x10, s17, s21, $0xb8;
	[tilespmem:$0x1BA00] =	vst v63  }
0x9b: {  	_ =	swait.ge [sflag:s26], $0x2000  }
0x9c: {  	[sflag:s26] =	ssyncset.done $0x0  }
0x9d: {  	[sflag:s26] =	ssyncadd.s32 $0xFFFFE000  }
0x9e: {  	_ =	swait.ge [sflag:s28], $0x2000  }
0x9f: {  	[sflag:s28] =	ssyncset.done $0x0  }
0xa0: {  	s22 =	simm.s32 $0x200;
	[sflag:s28] =	ssyncadd.s32 $0xFFFFE000  }
0xa1: {  	[tilespmem:s31], [sflag:$0x1] =	stream.indirect.gather [hbm4b:s1+s29], $0x40, s22, s29, $0xb8;
	[tilespmem:$0x1BA00] =	vst v63  }
0xa2: {  	s17 =	simm.s32 $0x5180;
	s22 =	simm.s32 $0xFFFF6C00  }
0xa3: {  	[spmem:s3] =	stream.indirect.scatter.add.f32 [tilespmem:s30], [sflag:$0x4], $0x40, s17, s29, $0xb8;
	[tilespmem:$0x1BA00] =	vst v63  }
.LBB2_6:
0xa4: {  	[spmem:s4] =	stream.indirect.scatter.add.f32 @!p0 [tilespmem:s16], [sflag:$0x5], $0x10, s17, s21, $0xb8;
	[tilespmem:$0x1BA00] =	vst v63  }
0xa5: {  	s17 =	smov.u32 s22;
	s22 =	sadd.s32 $0x400, s22;
	_ =	swait.ge [sflag:s0], $0x2000  }
0xa6: {  	p1 =	sne.s32 s22, $0x0;
	[sflag:s0] =	ssyncset.done $0x0  }
0xa7: {  	[sflag:s0] =	ssyncadd.s32 $0xFFFFE000  }
0xa8: {  	_ =	swait.ge [sflag:s6], $0x2000  }
0xa9: {  	[sflag:s6] =	ssyncset.done $0x0  }
0xaa: {  	[sflag:s6] =	ssyncadd.s32 $0xFFFFE000  }
0xab: {  	_ =	swait.ge @!p0 [sflag:s15], $0x800  }
0xac: {  	[sflag:s15] =	ssyncset.done @!p0 $0x0  }
0xad: {  	[sflag:s15] =	ssyncadd.s32 @!p0 $0xFFFFF800  }
0xae: {  	_ =	swait.ge @!p0 [sflag:s15], $0x800  }
0xaf: {  	s17 =	sshra.s32 s17, $0x2;
	[sflag:s15] =	ssyncset.done @!p0 $0x0  }
0xb0: {  	s18 =	sadd.s32 $0x2780, s17;
	[sflag:s15] =	ssyncadd.s32 @!p0 $0xFFFFF800  }
0xb1: {  	[tilespmem:s30], [sflag:$0x2] =	stream.indirect.gather [hbm4b:s1+s29], $0x40, s18, s29, $0xb8;
	[tilespmem:$0x1BA00] =	vst v63  }
0xb2: {  	s18 =	sadd.s32 $0x7700, s17  }
0xb3: {  	[spmem:s3] =	stream.indirect.scatter.add.f32 [tilespmem:s31], [sflag:$0x3], $0x40, s18, s29, $0xb8;
	[tilespmem:$0x1BA00] =	vst v63  }
0xb4: {  	_ = 	snop  }
0xb5: {  	[spmem:s4] =	stream.indirect.scatter.add.f32 @!p0 [tilespmem:s16], [sflag:$0x5], $0x10, s18, s21, $0xb8;
	[tilespmem:$0x1BA00] =	vst v63  }
0xb6: {  	_ =	swait.ge [sflag:s26], $0x2000  }
0xb7: {  	[sflag:s26] =	ssyncset.done $0x0  }
0xb8: {  	[sflag:s26] =	ssyncadd.s32 $0xFFFFE000  }
0xb9: {  	_ =	swait.ge [sflag:s28], $0x2000  }
.Ltmp4:
0xba: {  	[sflag:s28] =	ssyncset.done $0x0;
	(pc) =	sbr.rel @p1 .LBB2_6-.Ltmp4, $4  }
0xbb: {  	s18 =	sadd.s32 $0x2800, s17;
	[sflag:s28] =	ssyncadd.s32 $0xFFFFE000  }
0xbc: {  	[tilespmem:s31], [sflag:$0x1] =	stream.indirect.gather [hbm4b:s1+s29], $0x40, s18, s29, $0xb8;
	[tilespmem:$0x1BA00] =	vst v63  }
0xbd: {  	s17 =	sadd.s32 $0x7780, s17  }
0xbe: {  	[spmem:s3] =	stream.indirect.scatter.add.f32 [tilespmem:s30], [sflag:$0x4], $0x40, s17, s29, $0xb8;
	[tilespmem:$0x1BA00] =	vst v63  }
0xbf: {  	[spmem:s4] =	stream.indirect.scatter.add.f32 @!p0 [tilespmem:s16], [sflag:$0x5], $0x10, s17, s21, $0xb8;
	[tilespmem:$0x1BA00] =	vst v63  }
0xc0: {  	_ =	swait.ge [sflag:s0], $0x2000  }
0xc1: {  	[sflag:s0] =	ssyncset.done $0x0  }
0xc2: {  	[sflag:s0] =	ssyncadd.s32 $0xFFFFE000  }
0xc3: {  	_ =	swait.ge [sflag:s6], $0x2000  }
0xc4: {  	s16 =	simm.s32 @p0 $0x80;
	[sflag:s6] =	ssyncset.done $0x0  }
0xc5: {  	s17 =	simm.s32 @p0 $0x2780;
	s18 =	simm.s32 @p0 $0x9800;
	[sflag:s6] =	ssyncadd.s32 $0xFFFFE000  }
0xc6: {  	[tilespmem:s18], [sflag:$0x2] =	stream.indirect.gather @p0 [hbm4b:s1+s16], $0x40, s17, s16, $0xb8;
	[tilespmem:$0x1BA00] =	vst v63  }
0xc7: {  	s17 =	simm.s32 @p0 $0x7700;
	s18 =	simm.s32 @p0 $0x7800  }
0xc8: {  	[spmem:s3] =	stream.indirect.scatter.add.f32 @p0 [tilespmem:s18], [sflag:$0x3], $0x40, s17, s16, $0xb8;
	[tilespmem:$0x1BA00] =	vst v63  }
0xc9: {  	_ =	swait.ge @!p0 [sflag:s15], $0x800  }
0xca: {  	[sflag:s15] =	ssyncset.done @!p0 $0x0  }
0xcb: {  	[sflag:s15] =	ssyncadd.s32 @!p0 $0xFFFFF800  }
0xcc: {  	_ =	swait.ge @!p0 [sflag:s15], $0x800  }
0xcd: {  	s16 =	simm.s32 @!p0 $0x80;
	[sflag:s15] =	ssyncset.done @!p0 $0x0  }
0xce: {  	s17 =	simm.s32 @!p0 $0x2780;
	s18 =	simm.s32 @!p0 $0x9800;
	[sflag:s15] =	ssyncadd.s32 @!p0 $0xFFFFF800  }
0xcf: {  	[tilespmem:s18], [sflag:$0x2] =	stream.indirect.gather @!p0 [hbm4b:s1+s16], $0x40, s17, s16, $0xb8;
	[tilespmem:$0x1BA00] =	vst v63  }
0xd0: {  	s17 =	simm.s32 @!p0 $0x7700;
	s18 =	simm.s32 @!p0 $0x7800  }
0xd1: {  	[spmem:s3] =	stream.indirect.scatter.add.f32 @!p0 [tilespmem:s18], [sflag:$0x3], $0x40, s17, s16, $0xb8;
	[tilespmem:$0x1BA00] =	vst v63  }
0xd2: {  	s18 =	simm.s32 @!p0 $0xEA00  }
0xd3: {  	[spmem:s4] =	stream.indirect.scatter.add.f32 @!p0 [tilespmem:s18], [sflag:$0x5], $0x10, s17, s16, $0xb8;
	[tilespmem:$0x1BA00] =	vst v63  }
0xd4: {  	_ =	swait.ge [sflag:s26], $0x2000  }
0xd5: {  	[sflag:s26] =	ssyncset.done $0x0  }
0xd6: {  	[sflag:s26] =	ssyncadd.s32 $0xFFFFE000  }
0xd7: {  	_ =	swait.ge [sflag:s28], $0x2000  }
0xd8: {  	[sflag:s28] =	ssyncset.done $0x0  }
0xd9: {  	s22 =	simm.s32 $0x7780;
	s17 =	simm.s32 @p0 $0x4;
	[sflag:s28] =	ssyncadd.s32 $0xFFFFE000  }
0xda: {  	[spmem:s3] =	stream.indirect.scatter.add.f32 [tilespmem:s30], [sflag:$0x4], $0x40, s22, s29, $0xb8;
	[tilespmem:$0x1BA00] =	vst v63  }
0xdb: {  	_ =	swait.ge @p0 [sflag:s17], $0x2000  }
0xdc: {  	[sflag:s17] =	ssyncset.done @p0 $0x0  }
0xdd: {  	[sflag:s17] =	ssyncadd.s32 @p0 $0xFFFFE000;
	s17 =	simm.s32 @!p0 $0x7780  }
0xde: {  	[spmem:s4] =	stream.indirect.scatter.add.f32 @!p0 [tilespmem:s18], [sflag:$0x5], $0x10, s17, s16, $0xb8;
	[tilespmem:$0x1BA00] =	vst v63  }
0xdf: {  	s16 =	simm.s32 @!p0 $0x4  }
0xe0: {  	_ =	swait.ge @!p0 [sflag:s16], $0x2000  }
0xe1: {  	[sflag:s16] =	ssyncset.done @!p0 $0x0  }
0xe2: {  	[sflag:s16] =	ssyncadd.s32 @!p0 $0xFFFFE000  }
0xe3: {  	_ =	swait.ge @!p0 [sflag:s15], $0x800  }
0xe4: {  	[sflag:s15] =	ssyncset.done @!p0 $0x0  }
0xe5: {  	[sflag:s15] =	ssyncadd.s32 @!p0 $0xFFFFF800  }
0xe6: {  	_ =	swait.ge @!p0 [sflag:s15], $0x800  }
0xe7: {  	[sflag:s15] =	ssyncset.done @!p0 $0x0  }
0xe8: {  	s18 =	stileid.u32;
	[sflag:s15] =	ssyncadd.s32 @!p0 $0xFFFFF800  }
0xe9: {  	s15 =	sshll.u32 s18, $0x6;
	[bflag:$0x0] =	sbarrier.arrive $0xFFFF  }
0xea: {  	s16 =	sshrl.u32 s9, $0x3;
	s15 =	sor.u32 $0x1C07, s15;
	s21 =	rddreg [dreg:$0xc]  }
0xeb: {  	[hbm:s21@s7], [sflag:s15] =	dma.strided [spmem:s16@s8], $0x1400, s0, $0x8   }
0xec: {  	_ =	swait.ge [sflag:s13], $0x1400  }
0xed: {  	[sflag:s13] =	ssyncset.done $0x0  }
0xee: {  	s17 =	rddreg [dreg:$0xd];
	[sflag:s13] =	ssyncadd.s32 $0xFFFFEC00  }
0xef: {  	[hbm:s17], [sflag:s15] =	dma.local @!p0 [spmem:s25], $0x500  }
0xf0: {  	s17 =	simm.s32 @!p0 $0x7  }
0xf1: {  	_ =	swait.ge @!p0 [sflag:s17], $0x500  }
0xf2: {  	[sflag:s17] =	ssyncset.done @!p0 $0x0  }
0xf3: {  	[sflag:s17] =	ssyncadd.s32 @!p0 $0xFFFFFB00  }
0xf4: {  	[spmem:s9] =	stream.linear.scatter [tilespmem:s24], [sflag:$0x6], $0x2800, $0x38;
	[tilespmem:$0x1BA00] =	vst v63  }
0xf5: {  	_ = 	snop  }
0xf6: {  	[spmem:s10] =	stream.linear.scatter [tilespmem:s24], [sflag:$0x6], $0x2800, $0x38;
	[tilespmem:$0x1BA00] =	vst v63  }
0xf7: {  	_ = 	snop  }
0xf8: {  	[spmem:s11] =	stream.linear.scatter [tilespmem:s24], [sflag:$0x6], $0x2800, $0x38;
	[tilespmem:$0x1BA00] =	vst v63  }
0xf9: {  	_ = 	snop  }
0xfa: {  	[spmem:s12] =	stream.linear.scatter [tilespmem:s24], [sflag:$0x6], $0x2800, $0x38;
	[tilespmem:$0x1BA00] =	vst v63  }
0xfb: {  	_ =	swait.ge [sflag:s23], $0x2800  }
0xfc: {  	[sflag:s23] =	ssyncset.done $0x0  }
0xfd: {  	[sflag:s23] =	ssyncadd.s32 $0xFFFFD800  }
0xfe: {  	_ =	swait.ge [sflag:s23], $0x2800  }
0xff: {  	[sflag:s23] =	ssyncset.done $0x0  }
0x100: {  	[sflag:s23] =	ssyncadd.s32 $0xFFFFD800  }
0x101: {  	_ =	swait.ge [sflag:s23], $0x2800  }
0x102: {  	[sflag:s23] =	ssyncset.done $0x0  }
0x103: {  	[sflag:s23] =	ssyncadd.s32 $0xFFFFD800  }
0x104: {  	_ =	swait.ge [sflag:s23], $0x2800  }
0x105: {  	[sflag:s23] =	ssyncset.done $0x0  }
0x106: {  	[sflag:s23] =	ssyncadd.s32 $0xFFFFD800  }
0x107: {  	s22 =	simm.s32 $0x2800;
	[bflag:$0x0] =	sbarrier.arrive $0xFFFF  }
0x108: {  	[tilespmem:s31], [sflag:$0x1] =	stream.indirect.gather [hbm4b:s1+s29], $0x40, s22, s29, $0xb8;
	[tilespmem:$0x1BA00] =	vst v63  }
0x109: {  	_ =	swait.ge [sflag:s0], $0x2000  }
0x10a: {  	[sflag:s0] =	ssyncset.done $0x0  }
0x10b: {  	s18 =	simm.s32 $0x2880;
	[sflag:s0] =	ssyncadd.s32 $0xFFFFE000  }
0x10c: {  	[tilespmem:s30], [sflag:$0x2] =	stream.indirect.gather [hbm4b:s1+s29], $0x40, s18, s29, $0xb8;
	[tilespmem:$0x1BA00] =	vst v63  }
0x10d: {  	s21 =	simm.s32 $0x5000  }
0x10e: {  	[spmem:s3] =	stream.indirect.scatter.add.f32 [tilespmem:s31], [sflag:$0x3], $0x40, s21, s29, $0xb8;
	[tilespmem:$0x1BA00] =	vst v63  }
0x10f: {  	_ =	swait.ge [sflag:s26], $0x2000  }
0x110: {  	[sflag:s26] =	ssyncset.done $0x0  }
0x111: {  	[sflag:s26] =	ssyncadd.s32 $0xFFFFE000  }
0x112: {  	_ =	swait.ge [sflag:s28], $0x2000  }
0x113: {  	[sflag:s28] =	ssyncset.done $0x0  }
0x114: {  	s22 =	simm.s32 $0x2900;
	[sflag:s28] =	ssyncadd.s32 $0xFFFFE000  }
0x115: {  	[tilespmem:s31], [sflag:$0x1] =	stream.indirect.gather [hbm4b:s1+s29], $0x40, s22, s29, $0xb8;
	[tilespmem:$0x1BA00] =	vst v63  }
0x116: {  	s21 =	simm.s32 $0xFFFF6800  }
0x117: {  	[spmem:s3] =	stream.indirect.scatter.add.f32 [tilespmem:s30], [sflag:$0x4], $0x40, s2, s29, $0xb8;
	[tilespmem:$0x1BA00] =	vst v63  }
.LBB2_8:
0x118: {  	_ =	swait.ge [sflag:s0], $0x2000  }
0x119: {  	[sflag:s0] =	ssyncset.done $0x0  }
0x11a: {  	[sflag:s0] =	ssyncadd.s32 $0xFFFFE000  }
0x11b: {  	_ =	swait.ge [sflag:s6], $0x2000  }
0x11c: {  	s22 =	sshra.s32 s21, $0x2;
	[sflag:s6] =	ssyncset.done $0x0  }
0x11d: {  	s17 =	sadd.s32 $0x4F80, s22;
	[sflag:s6] =	ssyncadd.s32 $0xFFFFE000  }
0x11e: {  	[tilespmem:s30], [sflag:$0x2] =	stream.indirect.gather [hbm4b:s1+s29], $0x40, s17, s29, $0xb8;
	[tilespmem:$0x1BA00] =	vst v63  }
0x11f: {  	s18 =	sadd.s32 $0x7700, s22  }
0x120: {  	[spmem:s3] =	stream.indirect.scatter.add.f32 [tilespmem:s31], [sflag:$0x3], $0x40, s18, s29, $0xb8;
	[tilespmem:$0x1BA00] =	vst v63  }
0x121: {  	p1 =	seq.s32 s21, $0x0;
	_ =	swait.ge [sflag:s26], $0x2000  }
.Ltmp5:
0x122: {  	[sflag:s26] =	ssyncset.done $0x0;
	(pc) =	sbr.rel @p1 .LBB2_10-.Ltmp5, $4  }
0x123: {  	[sflag:s26] =	ssyncadd.s32 $0xFFFFE000  }
0x124: {  	_ =	swait.ge [sflag:s28], $0x2000  }
0x125: {  	[sflag:s28] =	ssyncset.done $0x0  }
0x126: {  	s17 =	sadd.s32 $0x7780, s22;
	[sflag:s28] =	ssyncadd.s32 $0xFFFFE000  }
.Ltmp6:
0x127: {  	(pc) =	sbr.rel .LBB2_8-.Ltmp6, $4  }
0x128: {  	s18 =	sadd.s32 $0x5000, s22  }
0x129: {  	[tilespmem:s31], [sflag:$0x1] =	stream.indirect.gather [hbm4b:s1+s29], $0x40, s18, s29, $0xb8;
	[tilespmem:$0x1BA00] =	vst v63  }
0x12a: {  	s21 =	sadd.s32 $0x400, s21  }
0x12b: {  	[spmem:s3] =	stream.indirect.scatter.add.f32 [tilespmem:s30], [sflag:$0x4], $0x40, s17, s29, $0xb8;
	[tilespmem:$0x1BA00] =	vst v63  }
.LBB2_11:
0x12c: {  	_ =	sfence.sel $0x180000  }
0x12d: {  	[bflag:$0x0] =	sbarrier.arrive $0xFFFF  }
0x12e: {  	_ =	strace $0x90000047  }
0x12f: {  	s0 =	stileid.u32;
	[bflag:$0x2] =	sbarrier.arrive $0xFFFF  }
0x130: {  	p0 =	sne.s32 s0, $0x0;
	s0 =	rddreg [dreg:$0x4]  }
0x131: {  	s0 =	sadd.s32 @!p0 $0x100000, s0  }
0x132: {  	[sflag:s0] =	ssyncadd.tile.s32 @!p0 $0x1;
	_ =	shalt  }
.Lfunc_end2:
_tile_overlayer_lowered:
.L_overlay_start_2:
0x133: {  	(tag) =	ssettag $0x2  }
0x134: {  	s0 =	rddreg [dreg:$0x0];
	s2 =	stileid.u32  }
0x135: {  	s1 =	rddreg [dreg:$0x1];
	p0 =	sne.s32 s2, $0x0  }
0x136: {  	s3 =	rddreg [dreg:$0x2];
	[bflag:$0x3] =	sbarrier.arrive $0xFFFF;
	s2 =	simm.s32 @!p0 $0x1C07  }
0x137: {  	[timem:s3], [sflag:s2] =	dma.local @!p0 [hbm:s0], s1  }
0x138: {  	s0 =	simm.s32 @!p0 $0x7  }
0x139: {  	_ =	swait.ge @!p0 [sflag:s0], s1  }
0x13a: {  	s1 =	ssub.s32 @!p0 $0x0, s1;
	[sflag:s0] =	ssyncset.done @!p0 $0x0  }
0x13b: {  	[sflag:s0] =	ssyncadd.s32 @!p0 s1  }
0x13c: {  	[bflag:$0x3] =	sbarrier.arrive $0xFFFF  }
0x13d: {  	_ =	shalt  }

</sc_bundles>
